<compile_context>
chip_gen: v7x
topology: tpu7x:2x2x1
jax: 0.10.2.dev20260603
libtpu: 0.0.44.dev20260713+nightly
codegen_flags: <defaults>
</compile_context>

<pallas_src>
import functools

import jax
import jax.numpy as jnp
from jax import lax
from jax.experimental import pallas as pl
from jax.experimental.pallas import tpu as pltpu
from jax.experimental.pallas import tpu_sc as plsc

NC = 2
NS = 16
NW = NC * NS


def _make_gather(B, V, D, C, NBUF=4):
    b_per_w = B // NW
    n = b_per_w // C
    assert b_per_w % C == 0 and n % NBUF == 0 and n >= NBUF
    mesh = plsc.VectorSubcoreMesh(core_axis_name="c", subcore_axis_name="s")

    @functools.partial(
        pl.kernel,
        mesh=mesh,
        out_type=jax.ShapeDtypeStruct((B, D), jnp.float32),
        scratch_types=[
            pltpu.VMEM((NBUF, C), jnp.int32),
            pltpu.VMEM((NBUF, C, D), jnp.float32),
            pltpu.SemaphoreType.DMA((NBUF,)),
            pltpu.SemaphoreType.DMA((NBUF,)),
        ],
        compiler_params=pltpu.CompilerParams(use_tc_tiling_on_sc=False),
    )
    def emb(idx_hbm, table_hbm, out_hbm, idx_v, rows_v, gsem, osem):
        wid = lax.axis_index("s") * NC + lax.axis_index("c")
        base = wid * b_per_w

        def idx_sl(i):
            return idx_hbm.at[pl.ds(base + i * C, C)]

        def out_sl(i):
            return out_hbm.at[pl.ds(base + i * C, C)]

        def gather(i, s):
            pltpu.sync_copy(idx_sl(i), idx_v.at[s])
            pltpu.async_copy(table_hbm.at[idx_v.at[s]], rows_v.at[s], gsem.at[s])

        def wait_gather(s):
            pltpu.make_async_copy(
                table_hbm.at[idx_v.at[s]], rows_v.at[s], gsem.at[s]).wait()

        def wait_store(i, s):
            pltpu.make_async_copy(rows_v.at[s], out_sl(i), osem.at[s]).wait()

        gather(0, 0)
        gather(1, 1)
        gather(2, 2)

        @pl.loop(0, n, step=NBUF)
        def _(g):
            for b in range(NBUF):
                i = g + b
                wait_gather(b)
                pltpu.async_copy(rows_v.at[b], out_sl(i), osem.at[b])
                s = (b + 3) % NBUF
                @pl.when(i + 3 < n)
                def _():
                    @pl.when(i >= 2)
                    def _():
                        wait_store(i - 2, s)
                    gather(i + 3, s)

        for b in range(NBUF):
            i = n - NBUF + b
            wait_store(i, i % NBUF)

    return emb


def kernel(x, table):
    B0, S = x.shape
    V, D = table.shape
    B = B0 * S
    xf = x.reshape(B).astype(jnp.int32)
    out = _make_gather(B, V, D, C=320, NBUF=5)(xf, table)
    return out.reshape(B0, S, D)

# --- scband reference (transcript-rebuilt; emitter-appended) ---
"""Pipeline reference for scband-token-embedding-37606733644275 (READ-ONLY COPY).

The authoritative reference and input builder live on the scoring server;
editing this copy changes nothing except your own understanding.
"""

import jax, jax.numpy as jnp
import numpy as np

VOCAB = 1000000
D_MODEL = 64
PADDING_IDX = 1

def setup_inputs(seed: int = 0) -> dict:
    key = jax.random.key(seed)
    k1, k2 = jax.random.split(key)
    x = jax.random.randint(k1, (16384, 50), 0, VOCAB)
    table = jax.random.normal(k2, (VOCAB, D_MODEL), dtype=jnp.float32)
    table = table.at[PADDING_IDX].set(0.0)
    return {"x": x, "table": table}

def reference(x, table):
    # nn.Embedding with padding_idx: row at padding_idx is zero
    t = table.at[PADDING_IDX].set(0.0)
    return jnp.take(t, x, axis=0)

if __name__ == "__main__":
    import jax
    _d = setup_inputs()
    print(jax.jit(kernel)(*tuple(_d.values())))

</pallas_src>

<mosaic_0001>
#map = affine_map<(d0, d1) -> (0)>
#map1 = affine_map<(d0, d1) -> (0, 0)>
module attributes {stable_mosaic.version = 14 : i64} {
  func.func @emb(%arg0: i32, %arg1: i32, %arg2: memref<819200xi32, #tpu.memory_space<hbm>>, %arg3: memref<1000000x64xf32, #tpu.memory_space<hbm>>, %arg4: memref<819200x64xf32, #tpu.memory_space<hbm>>, %arg5: memref<5x320xi32, #tpu.memory_space<vmem>>, %arg6: memref<5x320x64xf32, #tpu.memory_space<vmem>>, %arg7: memref<5x!tpu.dma_semaphore, #tpu.memory_space<semaphore_mem>>, %arg8: memref<5x!tpu.dma_semaphore, #tpu.memory_space<semaphore_mem>>) attributes {dimension_semantics = [#tpu.dimension_semantics<core_parallel>, #tpu.dimension_semantics<subcore_parallel>], iteration_bounds = array<i64: 2, 16>, scalar_prefetch = 0 : i64, scratch_operands = 4 : i64, tpu.core_type = #tpu.core_type<sc_vector_subcore>, window_params = [{transform_indices = #map}, {transform_indices = #map1}, {transform_indices = #map1}]} {
    %mul3A = arith.constant 2 : i32
    %mul3A_0 = arith.muli %arg1, %mul3A : i32
    %add3A = arith.addi %mul3A_0, %arg0 : i32
    %mul3A_1 = arith.constant 25600 : i32
    %mul3A_2 = arith.muli %add3A, %mul3A_1 : i32
    %add3A_3 = arith.constant 0 : i32
    %add3A_4 = arith.addi %mul3A_2, %add3A_3 : i32
    %run_scoped3A = arith.constant 0 : i32
    "tpu.region"() ({
      %run_scoped3A_148 = tpu.sem_alloc : memref<!tpu.dma_semaphore, #tpu.memory_space<semaphore_mem>>
      %dma_start3A_149 = arith.constant 0 : i32
      %dma_start3A_150 = tpu.memref_slice %arg5[%run_scoped3A, %dma_start3A_149] : memref<5x320xi32, #tpu.memory_space<vmem>> -> memref<1x320xi32, #tpu.memory_space<vmem>>
      %dma_start3A_151 = tpu.memref_squeeze %dma_start3A_150 : memref<1x320xi32, #tpu.memory_space<vmem>> -> memref<320xi32, #tpu.memory_space<vmem>>
      %dma_start3A_152 = tpu.memref_slice %arg2[%add3A_4] : memref<819200xi32, #tpu.memory_space<hbm>> -> memref<320xi32, #tpu.memory_space<hbm>>
      %dma_start3A_153 = arith.constant 0 : i32
      %dma_start3A_154 = tpu.memref_slice %arg5[%run_scoped3A, %dma_start3A_153] : memref<5x320xi32, #tpu.memory_space<vmem>> -> memref<1x320xi32, #tpu.memory_space<vmem>>
      %dma_start3A_155 = tpu.memref_squeeze %dma_start3A_154 : memref<1x320xi32, #tpu.memory_space<vmem>> -> memref<320xi32, #tpu.memory_space<vmem>>
      %dma_start3A_156 = tpu.memref_slice %arg2[%add3A_4] : memref<819200xi32, #tpu.memory_space<hbm>> -> memref<320xi32, #tpu.memory_space<hbm>>
      tpu.enqueue_dma source(%dma_start3A_156 : memref<320xi32, #tpu.memory_space<hbm>>) target(%dma_start3A_155 : memref<320xi32, #tpu.memory_space<vmem>>) target_semaphore(%run_scoped3A_148 : memref<!tpu.dma_semaphore, #tpu.memory_space<semaphore_mem>>)
      %dma_wait3A_157 = arith.constant 0 : i32
      %dma_wait3A_158 = tpu.memref_slice %arg5[%run_scoped3A, %dma_wait3A_157] : memref<5x320xi32, #tpu.memory_space<vmem>> -> memref<1x320xi32, #tpu.memory_space<vmem>>
      %dma_wait3A_159 = tpu.memref_squeeze %dma_wait3A_158 : memref<1x320xi32, #tpu.memory_space<vmem>> -> memref<320xi32, #tpu.memory_space<vmem>>
      %dma_wait3A_160 = tpu.memref_slice %arg2[%add3A_4] : memref<819200xi32, #tpu.memory_space<hbm>> -> memref<320xi32, #tpu.memory_space<hbm>>
      %dma_wait3A_161 = arith.constant 0 : i32
      %dma_wait3A_162 = tpu.memref_slice %arg5[%run_scoped3A, %dma_wait3A_161] : memref<5x320xi32, #tpu.memory_space<vmem>> -> memref<1x320xi32, #tpu.memory_space<vmem>>
      %dma_wait3A_163 = tpu.memref_squeeze %dma_wait3A_162 : memref<1x320xi32, #tpu.memory_space<vmem>> -> memref<320xi32, #tpu.memory_space<vmem>>
      %dma_wait3A_164 = tpu.memref_slice %arg2[%add3A_4] : memref<819200xi32, #tpu.memory_space<hbm>> -> memref<320xi32, #tpu.memory_space<hbm>>
      tpu.wait_dma2 semaphore(%run_scoped3A_148 : memref<!tpu.dma_semaphore, #tpu.memory_space<semaphore_mem>>) src(%dma_wait3A_164 : memref<320xi32, #tpu.memory_space<hbm>>) dst(%dma_wait3A_163 : memref<320xi32, #tpu.memory_space<vmem>>)
      tpu.yield
    }) : () -> ()
    %dma_start3A = arith.constant 0 : i32
    %dma_start3A_5 = arith.constant 0 : i32
    %dma_start3A_6 = arith.constant 0 : i32
    %dma_start3A_7 = arith.constant 0 : i32
    %dma_start3A_8 = arith.constant 0 : i32
    %dma_start3A_9 = tpu.memref_slice %arg6[%dma_start3A_5, %dma_start3A_7, %dma_start3A_8] : memref<5x320x64xf32, #tpu.memory_space<vmem>> -> memref<1x320x64xf32, #tpu.memory_space<vmem>>
    %dma_start3A_10 = tpu.memref_squeeze %dma_start3A_9 : memref<1x320x64xf32, #tpu.memory_space<vmem>> -> memref<320x64xf32, #tpu.memory_space<vmem>>
    %dma_start3A_11 = arith.constant 0 : i32
    %dma_start3A_12 = tpu.memref_slice %arg5[%dma_start3A, %dma_start3A_11] : memref<5x320xi32, #tpu.memory_space<vmem>> -> memref<1x320xi32, #tpu.memory_space<vmem>>
    %dma_start3A_13 = tpu.memref_squeeze %dma_start3A_12 : memref<1x320xi32, #tpu.memory_space<vmem>> -> memref<320xi32, #tpu.memory_space<vmem>>
    %dma_start3A_14 = arith.constant 0 : i32
    %dma_start3A_15 = arith.constant 0 : i32
    %dma_start3A_16 = tpu.memref_slice %arg3[%dma_start3A_14, %dma_start3A_15] : memref<1000000x64xf32, #tpu.memory_space<hbm>> -> memref<1000000x64xf32, #tpu.memory_space<hbm>>
    %dma_start3A_17 = tpu.memref_slice %arg7[%dma_start3A_6] : memref<5x!tpu.dma_semaphore, #tpu.memory_space<semaphore_mem>> -> memref<1x!tpu.dma_semaphore, #tpu.memory_space<semaphore_mem>>
    %dma_start3A_18 = tpu.memref_squeeze %dma_start3A_17 : memref<1x!tpu.dma_semaphore, #tpu.memory_space<semaphore_mem>> -> memref<!tpu.dma_semaphore, #tpu.memory_space<semaphore_mem>>
    tpu.enqueue_indirect_dma source(%dma_start3A_16 : memref<1000000x64xf32, #tpu.memory_space<hbm>>) target(%dma_start3A_10 : memref<320x64xf32, #tpu.memory_space<vmem>>) offsets(%dma_start3A_13 : memref<320xi32, #tpu.memory_space<vmem>>) semaphore(%dma_start3A_18 : memref<!tpu.dma_semaphore, #tpu.memory_space<semaphore_mem>>)
    %add3A_19 = arith.constant 320 : i32
    %add3A_20 = arith.addi %mul3A_2, %add3A_19 : i32
    %run_scoped3A_21 = arith.constant 1 : i32
    "tpu.region"() ({
      %run_scoped3A_148 = tpu.sem_alloc : memref<!tpu.dma_semaphore, #tpu.memory_space<semaphore_mem>>
      %dma_start3A_149 = arith.constant 0 : i32
      %dma_start3A_150 = tpu.memref_slice %arg5[%run_scoped3A_21, %dma_start3A_149] : memref<5x320xi32, #tpu.memory_space<vmem>> -> memref<1x320xi32, #tpu.memory_space<vmem>>
      %dma_start3A_151 = tpu.memref_squeeze %dma_start3A_150 : memref<1x320xi32, #tpu.memory_space<vmem>> -> memref<320xi32, #tpu.memory_space<vmem>>
      %dma_start3A_152 = tpu.memref_slice %arg2[%add3A_20] : memref<819200xi32, #tpu.memory_space<hbm>> -> memref<320xi32, #tpu.memory_space<hbm>>
      %dma_start3A_153 = arith.constant 0 : i32
      %dma_start3A_154 = tpu.memref_slice %arg5[%run_scoped3A_21, %dma_start3A_153] : memref<5x320xi32, #tpu.memory_space<vmem>> -> memref<1x320xi32, #tpu.memory_space<vmem>>
      %dma_start3A_155 = tpu.memref_squeeze %dma_start3A_154 : memref<1x320xi32, #tpu.memory_space<vmem>> -> memref<320xi32, #tpu.memory_space<vmem>>
      %dma_start3A_156 = tpu.memref_slice %arg2[%add3A_20] : memref<819200xi32, #tpu.memory_space<hbm>> -> memref<320xi32, #tpu.memory_space<hbm>>
      tpu.enqueue_dma source(%dma_start3A_156 : memref<320xi32, #tpu.memory_space<hbm>>) target(%dma_start3A_155 : memref<320xi32, #tpu.memory_space<vmem>>) target_semaphore(%run_scoped3A_148 : memref<!tpu.dma_semaphore, #tpu.memory_space<semaphore_mem>>)
      %dma_wait3A_157 = arith.constant 0 : i32
      %dma_wait3A_158 = tpu.memref_slice %arg5[%run_scoped3A_21, %dma_wait3A_157] : memref<5x320xi32, #tpu.memory_space<vmem>> -> memref<1x320xi32, #tpu.memory_space<vmem>>
      %dma_wait3A_159 = tpu.memref_squeeze %dma_wait3A_158 : memref<1x320xi32, #tpu.memory_space<vmem>> -> memref<320xi32, #tpu.memory_space<vmem>>
      %dma_wait3A_160 = tpu.memref_slice %arg2[%add3A_20] : memref<819200xi32, #tpu.memory_space<hbm>> -> memref<320xi32, #tpu.memory_space<hbm>>
      %dma_wait3A_161 = arith.constant 0 : i32
      %dma_wait3A_162 = tpu.memref_slice %arg5[%run_scoped3A_21, %dma_wait3A_161] : memref<5x320xi32, #tpu.memory_space<vmem>> -> memref<1x320xi32, #tpu.memory_space<vmem>>
      %dma_wait3A_163 = tpu.memref_squeeze %dma_wait3A_162 : memref<1x320xi32, #tpu.memory_space<vmem>> -> memref<320xi32, #tpu.memory_space<vmem>>
      %dma_wait3A_164 = tpu.memref_slice %arg2[%add3A_20] : memref<819200xi32, #tpu.memory_space<hbm>> -> memref<320xi32, #tpu.memory_space<hbm>>
      tpu.wait_dma2 semaphore(%run_scoped3A_148 : memref<!tpu.dma_semaphore, #tpu.memory_space<semaphore_mem>>) src(%dma_wait3A_164 : memref<320xi32, #tpu.memory_space<hbm>>) dst(%dma_wait3A_163 : memref<320xi32, #tpu.memory_space<vmem>>)
      tpu.yield
    }) : () -> ()
    %dma_start3A_22 = arith.constant 1 : i32
    %dma_start3A_23 = arith.constant 1 : i32
    %dma_start3A_24 = arith.constant 1 : i32
    %dma_start3A_25 = arith.constant 0 : i32
    %dma_start3A_26 = arith.constant 0 : i32
    %dma_start3A_27 = tpu.memref_slice %arg6[%dma_start3A_23, %dma_start3A_25, %dma_start3A_26] : memref<5x320x64xf32, #tpu.memory_space<vmem>> -> memref<1x320x64xf32, #tpu.memory_space<vmem>>
    %dma_start3A_28 = tpu.memref_squeeze %dma_start3A_27 : memref<1x320x64xf32, #tpu.memory_space<vmem>> -> memref<320x64xf32, #tpu.memory_space<vmem>>
    %dma_start3A_29 = arith.constant 0 : i32
    %dma_start3A_30 = tpu.memref_slice %arg5[%dma_start3A_22, %dma_start3A_29] : memref<5x320xi32, #tpu.memory_space<vmem>> -> memref<1x320xi32, #tpu.memory_space<vmem>>
    %dma_start3A_31 = tpu.memref_squeeze %dma_start3A_30 : memref<1x320xi32, #tpu.memory_space<vmem>> -> memref<320xi32, #tpu.memory_space<vmem>>
    %dma_start3A_32 = arith.constant 0 : i32
    %dma_start3A_33 = arith.constant 0 : i32
    %dma_start3A_34 = tpu.memref_slice %arg3[%dma_start3A_32, %dma_start3A_33] : memref<1000000x64xf32, #tpu.memory_space<hbm>> -> memref<1000000x64xf32, #tpu.memory_space<hbm>>
    %dma_start3A_35 = tpu.memref_slice %arg7[%dma_start3A_24] : memref<5x!tpu.dma_semaphore, #tpu.memory_space<semaphore_mem>> -> memref<1x!tpu.dma_semaphore, #tpu.memory_space<semaphore_mem>>
    %dma_start3A_36 = tpu.memref_squeeze %dma_start3A_35 : memref<1x!tpu.dma_semaphore, #tpu.memory_space<semaphore_mem>> -> memref<!tpu.dma_semaphore, #tpu.memory_space<semaphore_mem>>
    tpu.enqueue_indirect_dma source(%dma_start3A_34 : memref<1000000x64xf32, #tpu.memory_space<hbm>>) target(%dma_start3A_28 : memref<320x64xf32, #tpu.memory_space<vmem>>) offsets(%dma_start3A_31 : memref<320xi32, #tpu.memory_space<vmem>>) semaphore(%dma_start3A_36 : memref<!tpu.dma_semaphore, #tpu.memory_space<semaphore_mem>>)
    %add3A_37 = arith.constant 640 : i32
    %add3A_38 = arith.addi %mul3A_2, %add3A_37 : i32
    %run_scoped3A_39 = arith.constant 2 : i32
    "tpu.region"() ({
      %run_scoped3A_148 = tpu.sem_alloc : memref<!tpu.dma_semaphore, #tpu.memory_space<semaphore_mem>>
      %dma_start3A_149 = arith.constant 0 : i32
      %dma_start3A_150 = tpu.memref_slice %arg5[%run_scoped3A_39, %dma_start3A_149] : memref<5x320xi32, #tpu.memory_space<vmem>> -> memref<1x320xi32, #tpu.memory_space<vmem>>
      %dma_start3A_151 = tpu.memref_squeeze %dma_start3A_150 : memref<1x320xi32, #tpu.memory_space<vmem>> -> memref<320xi32, #tpu.memory_space<vmem>>
      %dma_start3A_152 = tpu.memref_slice %arg2[%add3A_38] : memref<819200xi32, #tpu.memory_space<hbm>> -> memref<320xi32, #tpu.memory_space<hbm>>
      %dma_start3A_153 = arith.constant 0 : i32
      %dma_start3A_154 = tpu.memref_slice %arg5[%run_scoped3A_39, %dma_start3A_153] : memref<5x320xi32, #tpu.memory_space<vmem>> -> memref<1x320xi32, #tpu.memory_space<vmem>>
      %dma_start3A_155 = tpu.memref_squeeze %dma_start3A_154 : memref<1x320xi32, #tpu.memory_space<vmem>> -> memref<320xi32, #tpu.memory_space<vmem>>
      %dma_start3A_156 = tpu.memref_slice %arg2[%add3A_38] : memref<819200xi32, #tpu.memory_space<hbm>> -> memref<320xi32, #tpu.memory_space<hbm>>
      tpu.enqueue_dma source(%dma_start3A_156 : memref<320xi32, #tpu.memory_space<hbm>>) target(%dma_start3A_155 : memref<320xi32, #tpu.memory_space<vmem>>) target_semaphore(%run_scoped3A_148 : memref<!tpu.dma_semaphore, #tpu.memory_space<semaphore_mem>>)
      %dma_wait3A_157 = arith.constant 0 : i32
      %dma_wait3A_158 = tpu.memref_slice %arg5[%run_scoped3A_39, %dma_wait3A_157] : memref<5x320xi32, #tpu.memory_space<vmem>> -> memref<1x320xi32, #tpu.memory_space<vmem>>
      %dma_wait3A_159 = tpu.memref_squeeze %dma_wait3A_158 : memref<1x320xi32, #tpu.memory_space<vmem>> -> memref<320xi32, #tpu.memory_space<vmem>>
      %dma_wait3A_160 = tpu.memref_slice %arg2[%add3A_38] : memref<819200xi32, #tpu.memory_space<hbm>> -> memref<320xi32, #tpu.memory_space<hbm>>
      %dma_wait3A_161 = arith.constant 0 : i32
      %dma_wait3A_162 = tpu.memref_slice %arg5[%run_scoped3A_39, %dma_wait3A_161] : memref<5x320xi32, #tpu.memory_space<vmem>> -> memref<1x320xi32, #tpu.memory_space<vmem>>
      %dma_wait3A_163 = tpu.memref_squeeze %dma_wait3A_162 : memref<1x320xi32, #tpu.memory_space<vmem>> -> memref<320xi32, #tpu.memory_space<vmem>>
      %dma_wait3A_164 = tpu.memref_slice %arg2[%add3A_38] : memref<819200xi32, #tpu.memory_space<hbm>> -> memref<320xi32, #tpu.memory_space<hbm>>
      tpu.wait_dma2 semaphore(%run_scoped3A_148 : memref<!tpu.dma_semaphore, #tpu.memory_space<semaphore_mem>>) src(%dma_wait3A_164 : memref<320xi32, #tpu.memory_space<hbm>>) dst(%dma_wait3A_163 : memref<320xi32, #tpu.memory_space<vmem>>)
      tpu.yield
    }) : () -> ()
    %dma_start3A_40 = arith.constant 2 : i32
    %dma_start3A_41 = arith.constant 2 : i32
    %dma_start3A_42 = arith.constant 2 : i32
    %dma_start3A_43 = arith.constant 0 : i32
    %dma_start3A_44 = arith.constant 0 : i32
    %dma_start3A_45 = tpu.memref_slice %arg6[%dma_start3A_41, %dma_start3A_43, %dma_start3A_44] : memref<5x320x64xf32, #tpu.memory_space<vmem>> -> memref<1x320x64xf32, #tpu.memory_space<vmem>>
    %dma_start3A_46 = tpu.memref_squeeze %dma_start3A_45 : memref<1x320x64xf32, #tpu.memory_space<vmem>> -> memref<320x64xf32, #tpu.memory_space<vmem>>
    %dma_start3A_47 = arith.constant 0 : i32
    %dma_start3A_48 = tpu.memref_slice %arg5[%dma_start3A_40, %dma_start3A_47] : memref<5x320xi32, #tpu.memory_space<vmem>> -> memref<1x320xi32, #tpu.memory_space<vmem>>
    %dma_start3A_49 = tpu.memref_squeeze %dma_start3A_48 : memref<1x320xi32, #tpu.memory_space<vmem>> -> memref<320xi32, #tpu.memory_space<vmem>>
    %dma_start3A_50 = arith.constant 0 : i32
    %dma_start3A_51 = arith.constant 0 : i32
    %dma_start3A_52 = tpu.memref_slice %arg3[%dma_start3A_50, %dma_start3A_51] : memref<1000000x64xf32, #tpu.memory_space<hbm>> -> memref<1000000x64xf32, #tpu.memory_space<hbm>>
    %dma_start3A_53 = tpu.memref_slice %arg7[%dma_start3A_42] : memref<5x!tpu.dma_semaphore, #tpu.memory_space<semaphore_mem>> -> memref<1x!tpu.dma_semaphore, #tpu.memory_space<semaphore_mem>>
    %dma_start3A_54 = tpu.memref_squeeze %dma_start3A_53 : memref<1x!tpu.dma_semaphore, #tpu.memory_space<semaphore_mem>> -> memref<!tpu.dma_semaphore, #tpu.memory_space<semaphore_mem>>
    tpu.enqueue_indirect_dma source(%dma_start3A_52 : memref<1000000x64xf32, #tpu.memory_space<hbm>>) target(%dma_start3A_46 : memref<320x64xf32, #tpu.memory_space<vmem>>) offsets(%dma_start3A_49 : memref<320xi32, #tpu.memory_space<vmem>>) semaphore(%dma_start3A_54 : memref<!tpu.dma_semaphore, #tpu.memory_space<semaphore_mem>>)
    %scan3A = arith.constant 0 : i32
    %scan3A_55 = arith.constant 16 : i32
    %scan3A_56 = arith.addi %scan3A, %scan3A_55 : i32
    %scan3A_57 = arith.constant 1 : i32
    scf.for %scan3A_148 = %scan3A to %scan3A_56 step %scan3A_57  : i32 {
      %mul3A_149 = arith.constant 5 : i32
      %mul3A_150 = arith.muli %scan3A_148, %mul3A_149 : i32
      %add3A_151 = arith.constant 0 : i32
      %add3A_152 = arith.addi %add3A_151, %mul3A_150 : i32
      %add3A_153 = arith.constant 0 : i32
      %add3A_154 = arith.addi %add3A_152, %add3A_153 : i32
      %dma_wait3A_155 = arith.constant 0 : i32
      %dma_wait3A_156 = arith.constant 0 : i32
      %dma_wait3A_157 = arith.constant 0 : i32
      %dma_wait3A_158 = arith.constant 0 : i32
      %dma_wait3A_159 = arith.constant 0 : i32
      %dma_wait3A_160 = tpu.memref_slice %arg6[%dma_wait3A_156, %dma_wait3A_158, %dma_wait3A_159] : memref<5x320x64xf32, #tpu.memory_space<vmem>> -> memref<1x320x64xf32, #tpu.memory_space<vmem>>
      %dma_wait3A_161 = tpu.memref_squeeze %dma_wait3A_160 : memref<1x320x64xf32, #tpu.memory_space<vmem>> -> memref<320x64xf32, #tpu.memory_space<vmem>>
      %dma_wait3A_162 = arith.constant 0 : i32
      %dma_wait3A_163 = tpu.memref_slice %arg5[%dma_wait3A_155, %dma_wait3A_162] : memref<5x320xi32, #tpu.memory_space<vmem>> -> memref<1x320xi32, #tpu.memory_space<vmem>>
      %dma_wait3A_164 = tpu.memref_squeeze %dma_wait3A_163 : memref<1x320xi32, #tpu.memory_space<vmem>> -> memref<320xi32, #tpu.memory_space<vmem>>
      %dma_wait3A_165 = arith.constant 0 : i32
      %dma_wait3A_166 = arith.constant 0 : i32
      %dma_wait3A_167 = tpu.memref_slice %arg3[%dma_wait3A_165, %dma_wait3A_166] : memref<1000000x64xf32, #tpu.memory_space<hbm>> -> memref<1000000x64xf32, #tpu.memory_space<hbm>>
      %dma_wait3A_168 = tpu.memref_slice %arg7[%dma_wait3A_157] : memref<5x!tpu.dma_semaphore, #tpu.memory_space<semaphore_mem>> -> memref<1x!tpu.dma_semaphore, #tpu.memory_space<semaphore_mem>>
      %dma_wait3A_169 = tpu.memref_squeeze %dma_wait3A_168 : memref<1x!tpu.dma_semaphore, #tpu.memory_space<semaphore_mem>> -> memref<!tpu.dma_semaphore, #tpu.memory_space<semaphore_mem>>
      tpu.wait_indirect_dma semaphore(%dma_wait3A_169 : memref<!tpu.dma_semaphore, #tpu.memory_space<semaphore_mem>>) src(%dma_wait3A_167 : memref<1000000x64xf32, #tpu.memory_space<hbm>>) dst(%dma_wait3A_161 : memref<320x64xf32, #tpu.memory_space<vmem>>)
      %mul3A_170 = arith.constant 320 : i32
      %mul3A_171 = arith.muli %add3A_154, %mul3A_170 : i32
      %add3A_172 = arith.addi %mul3A_2, %mul3A_171 : i32
      %dma_start3A_173 = arith.constant 0 : i32
      %dma_start3A_174 = arith.constant 0 : i32
      %dma_start3A_175 = arith.constant 0 : i32
      %dma_start3A_176 = arith.constant 0 : i32
      %dma_start3A_177 = tpu.memref_slice %arg6[%dma_start3A_173, %dma_start3A_175, %dma_start3A_176] : memref<5x320x64xf32, #tpu.memory_space<vmem>> -> memref<1x320x64xf32, #tpu.memory_space<vmem>>
      %dma_start3A_178 = tpu.memref_squeeze %dma_start3A_177 : memref<1x320x64xf32, #tpu.memory_space<vmem>> -> memref<320x64xf32, #tpu.memory_space<vmem>>
      %dma_start3A_179 = arith.constant 0 : i32
      %dma_start3A_180 = tpu.memref_slice %arg4[%add3A_172, %dma_start3A_179] : memref<819200x64xf32, #tpu.memory_space<hbm>> -> memref<320x64xf32, #tpu.memory_space<hbm>>
      %dma_start3A_181 = tpu.memref_slice %arg8[%dma_start3A_174] : memref<5x!tpu.dma_semaphore, #tpu.memory_space<semaphore_mem>> -> memref<1x!tpu.dma_semaphore, #tpu.memory_space<semaphore_mem>>
      %dma_start3A_182 = tpu.memref_squeeze %dma_start3A_181 : memref<1x!tpu.dma_semaphore, #tpu.memory_space<semaphore_mem>> -> memref<!tpu.dma_semaphore, #tpu.memory_space<semaphore_mem>>
      %dma_start3A_183 = arith.constant 0 : i32
      %dma_start3A_184 = tpu.memref_slice %arg4[%add3A_172, %dma_start3A_183] : memref<819200x64xf32, #tpu.memory_space<hbm>> -> memref<320x64xf32, #tpu.memory_space<hbm>>
      %dma_start3A_185 = arith.constant 0 : i32
      %dma_start3A_186 = arith.constant 0 : i32
      %dma_start3A_187 = tpu.memref_slice %arg6[%dma_start3A_173, %dma_start3A_185, %dma_start3A_186] : memref<5x320x64xf32, #tpu.memory_space<vmem>> -> memref<1x320x64xf32, #tpu.memory_space<vmem>>
      %dma_start3A_188 = tpu.memref_squeeze %dma_start3A_187 : memref<1x320x64xf32, #tpu.memory_space<vmem>> -> memref<320x64xf32, #tpu.memory_space<vmem>>
      tpu.enqueue_dma source(%dma_start3A_188 : memref<320x64xf32, #tpu.memory_space<vmem>>) target(%dma_start3A_184 : memref<320x64xf32, #tpu.memory_space<hbm>>) target_semaphore(%dma_start3A_182 : memref<!tpu.dma_semaphore, #tpu.memory_space<semaphore_mem>>)
      %add3A_189 = arith.constant 3 : i32
      %add3A_190 = arith.addi %add3A_154, %add3A_189 : i32
      %lt3A = arith.constant 80 : i32
      %lt3A_191 = arith.cmpi slt, %add3A_190, %lt3A : i32
      %convert_element_type3A = arith.extui %lt3A_191 : i1 to i32
      %cond3A = arith.constant 0 : i32
      %cond3A_192 = arith.cmpi ne, %convert_element_type3A, %cond3A : i32
      scf.if %cond3A_192 {
        %ge3A = arith.constant 2 : i32
        %ge3A_365 = arith.cmpi sge, %add3A_154, %ge3A : i32
        %convert_element_type3A_366 = arith.extui %ge3A_365 : i1 to i32
        %cond3A_367 = arith.constant 0 : i32
        %cond3A_368 = arith.cmpi ne, %convert_element_type3A_366, %cond3A_367 : i32
        scf.if %cond3A_368 {
          %sub3A = arith.constant 2 : i32
          %sub3A_390 = arith.subi %add3A_154, %sub3A : i32
          %mul3A_391 = arith.constant 320 : i32
          %mul3A_392 = arith.muli %sub3A_390, %mul3A_391 : i32
          %add3A_393 = arith.addi %mul3A_2, %mul3A_392 : i32
          %dma_wait3A_394 = arith.constant 3 : i32
          %dma_wait3A_395 = arith.constant 3 : i32
          %dma_wait3A_396 = arith.constant 0 : i32
          %dma_wait3A_397 = arith.constant 0 : i32
          %dma_wait3A_398 = tpu.memref_slice %arg6[%dma_wait3A_394, %dma_wait3A_396, %dma_wait3A_397] : memref<5x320x64xf32, #tpu.memory_space<vmem>> -> memref<1x320x64xf32, #tpu.memory_space<vmem>>
          %dma_wait3A_399 = tpu.memref_squeeze %dma_wait3A_398 : memref<1x320x64xf32, #tpu.memory_space<vmem>> -> memref<320x64xf32, #tpu.memory_space<vmem>>
          %dma_wait3A_400 = arith.constant 0 : i32
          %dma_wait3A_401 = tpu.memref_slice %arg4[%add3A_393, %dma_wait3A_400] : memref<819200x64xf32, #tpu.memory_space<hbm>> -> memref<320x64xf32, #tpu.memory_space<hbm>>
          %dma_wait3A_402 = tpu.memref_slice %arg8[%dma_wait3A_395] : memref<5x!tpu.dma_semaphore, #tpu.memory_space<semaphore_mem>> -> memref<1x!tpu.dma_semaphore, #tpu.memory_space<semaphore_mem>>
          %dma_wait3A_403 = tpu.memref_squeeze %dma_wait3A_402 : memref<1x!tpu.dma_semaphore, #tpu.memory_space<semaphore_mem>> -> memref<!tpu.dma_semaphore, #tpu.memory_space<semaphore_mem>>
          %dma_wait3A_404 = arith.constant 0 : i32
          %dma_wait3A_405 = tpu.memref_slice %arg4[%add3A_393, %dma_wait3A_404] : memref<819200x64xf32, #tpu.memory_space<hbm>> -> memref<320x64xf32, #tpu.memory_space<hbm>>
          %dma_wait3A_406 = arith.constant 0 : i32
          %dma_wait3A_407 = arith.constant 0 : i32
          %dma_wait3A_408 = tpu.memref_slice %arg6[%dma_wait3A_394, %dma_wait3A_406, %dma_wait3A_407] : memref<5x320x64xf32, #tpu.memory_space<vmem>> -> memref<1x320x64xf32, #tpu.memory_space<vmem>>
          %dma_wait3A_409 = tpu.memref_squeeze %dma_wait3A_408 : memref<1x320x64xf32, #tpu.memory_space<vmem>> -> memref<320x64xf32, #tpu.memory_space<vmem>>
          tpu.wait_dma2 semaphore(%dma_wait3A_403 : memref<!tpu.dma_semaphore, #tpu.memory_space<semaphore_mem>>) src(%dma_wait3A_409 : memref<320x64xf32, #tpu.memory_space<vmem>>) dst(%dma_wait3A_405 : memref<320x64xf32, #tpu.memory_space<hbm>>)
        } else {
        }
        %add3A_369 = arith.constant 3 : i32
        %add3A_370 = arith.addi %add3A_154, %add3A_369 : i32
        %mul3A_371 = arith.constant 320 : i32
        %mul3A_372 = arith.muli %add3A_370, %mul3A_371 : i32
        %add3A_373 = arith.addi %mul3A_2, %mul3A_372 : i32
        %run_scoped3A_374 = arith.constant 3 : i32
        "tpu.region"() ({
          %run_scoped3A_390 = tpu.sem_alloc : memref<!tpu.dma_semaphore, #tpu.memory_space<semaphore_mem>>
          %dma_start3A_391 = arith.constant 0 : i32
          %dma_start3A_392 = tpu.memref_slice %arg5[%run_scoped3A_374, %dma_start3A_391] : memref<5x320xi32, #tpu.memory_space<vmem>> -> memref<1x320xi32, #tpu.memory_space<vmem>>
          %dma_start3A_393 = tpu.memref_squeeze %dma_start3A_392 : memref<1x320xi32, #tpu.memory_space<vmem>> -> memref<320xi32, #tpu.memory_space<vmem>>
          %dma_start3A_394 = tpu.memref_slice %arg2[%add3A_373] : memref<819200xi32, #tpu.memory_space<hbm>> -> memref<320xi32, #tpu.memory_space<hbm>>
          %dma_start3A_395 = arith.constant 0 : i32
          %dma_start3A_396 = tpu.memref_slice %arg5[%run_scoped3A_374, %dma_start3A_395] : memref<5x320xi32, #tpu.memory_space<vmem>> -> memref<1x320xi32, #tpu.memory_space<vmem>>
          %dma_start3A_397 = tpu.memref_squeeze %dma_start3A_396 : memref<1x320xi32, #tpu.memory_space<vmem>> -> memref<320xi32, #tpu.memory_space<vmem>>
          %dma_start3A_398 = tpu.memref_slice %arg2[%add3A_373] : memref<819200xi32, #tpu.memory_space<hbm>> -> memref<320xi32, #tpu.memory_space<hbm>>
          tpu.enqueue_dma source(%dma_start3A_398 : memref<320xi32, #tpu.memory_space<hbm>>) target(%dma_start3A_397 : memref<320xi32, #tpu.memory_space<vmem>>) target_semaphore(%run_scoped3A_390 : memref<!tpu.dma_semaphore, #tpu.memory_space<semaphore_mem>>)
          %dma_wait3A_399 = arith.constant 0 : i32
          %dma_wait3A_400 = tpu.memref_slice %arg5[%run_scoped3A_374, %dma_wait3A_399] : memref<5x320xi32, #tpu.memory_space<vmem>> -> memref<1x320xi32, #tpu.memory_space<vmem>>
          %dma_wait3A_401 = tpu.memref_squeeze %dma_wait3A_400 : memref<1x320xi32, #tpu.memory_space<vmem>> -> memref<320xi32, #tpu.memory_space<vmem>>
          %dma_wait3A_402 = tpu.memref_slice %arg2[%add3A_373] : memref<819200xi32, #tpu.memory_space<hbm>> -> memref<320xi32, #tpu.memory_space<hbm>>
          %dma_wait3A_403 = arith.constant 0 : i32
          %dma_wait3A_404 = tpu.memref_slice %arg5[%run_scoped3A_374, %dma_wait3A_403] : memref<5x320xi32, #tpu.memory_space<vmem>> -> memref<1x320xi32, #tpu.memory_space<vmem>>
          %dma_wait3A_405 = tpu.memref_squeeze %dma_wait3A_404 : memref<1x320xi32, #tpu.memory_space<vmem>> -> memref<320xi32, #tpu.memory_space<vmem>>
          %dma_wait3A_406 = tpu.memref_slice %arg2[%add3A_373] : memref<819200xi32, #tpu.memory_space<hbm>> -> memref<320xi32, #tpu.memory_space<hbm>>
          tpu.wait_dma2 semaphore(%run_scoped3A_390 : memref<!tpu.dma_semaphore, #tpu.memory_space<semaphore_mem>>) src(%dma_wait3A_406 : memref<320xi32, #tpu.memory_space<hbm>>) dst(%dma_wait3A_405 : memref<320xi32, #tpu.memory_space<vmem>>)
          tpu.yield
        }) : () -> ()
        %dma_start3A_375 = arith.constant 3 : i32
        %dma_start3A_376 = arith.constant 3 : i32
        %dma_start3A_377 = arith.constant 3 : i32
        %dma_start3A_378 = arith.constant 0 : i32
        %dma_start3A_379 = arith.constant 0 : i32
        %dma_start3A_380 = tpu.memref_slice %arg6[%dma_start3A_376, %dma_start3A_378, %dma_start3A_379] : memref<5x320x64xf32, #tpu.memory_space<vmem>> -> memref<1x320x64xf32, #tpu.memory_space<vmem>>
        %dma_start3A_381 = tpu.memref_squeeze %dma_start3A_380 : memref<1x320x64xf32, #tpu.memory_space<vmem>> -> memref<320x64xf32, #tpu.memory_space<vmem>>
        %dma_start3A_382 = arith.constant 0 : i32
        %dma_start3A_383 = tpu.memref_slice %arg5[%dma_start3A_375, %dma_start3A_382] : memref<5x320xi32, #tpu.memory_space<vmem>> -> memref<1x320xi32, #tpu.memory_space<vmem>>
        %dma_start3A_384 = tpu.memref_squeeze %dma_start3A_383 : memref<1x320xi32, #tpu.memory_space<vmem>> -> memref<320xi32, #tpu.memory_space<vmem>>
        %dma_start3A_385 = arith.constant 0 : i32
        %dma_start3A_386 = arith.constant 0 : i32
        %dma_start3A_387 = tpu.memref_slice %arg3[%dma_start3A_385, %dma_start3A_386] : memref<1000000x64xf32, #tpu.memory_space<hbm>> -> memref<1000000x64xf32, #tpu.memory_space<hbm>>
        %dma_start3A_388 = tpu.memref_slice %arg7[%dma_start3A_377] : memref<5x!tpu.dma_semaphore, #tpu.memory_space<semaphore_mem>> -> memref<1x!tpu.dma_semaphore, #tpu.memory_space<semaphore_mem>>
        %dma_start3A_389 = tpu.memref_squeeze %dma_start3A_388 : memref<1x!tpu.dma_semaphore, #tpu.memory_space<semaphore_mem>> -> memref<!tpu.dma_semaphore, #tpu.memory_space<semaphore_mem>>
        tpu.enqueue_indirect_dma source(%dma_start3A_387 : memref<1000000x64xf32, #tpu.memory_space<hbm>>) target(%dma_start3A_381 : memref<320x64xf32, #tpu.memory_space<vmem>>) offsets(%dma_start3A_384 : memref<320xi32, #tpu.memory_space<vmem>>) semaphore(%dma_start3A_389 : memref<!tpu.dma_semaphore, #tpu.memory_space<semaphore_mem>>)
      } else {
      }
      %add3A_193 = arith.constant 1 : i32
      %add3A_194 = arith.addi %add3A_152, %add3A_193 : i32
      %dma_wait3A_195 = arith.constant 1 : i32
      %dma_wait3A_196 = arith.constant 1 : i32
      %dma_wait3A_197 = arith.constant 1 : i32
      %dma_wait3A_198 = arith.constant 0 : i32
      %dma_wait3A_199 = arith.constant 0 : i32
      %dma_wait3A_200 = tpu.memref_slice %arg6[%dma_wait3A_196, %dma_wait3A_198, %dma_wait3A_199] : memref<5x320x64xf32, #tpu.memory_space<vmem>> -> memref<1x320x64xf32, #tpu.memory_space<vmem>>
      %dma_wait3A_201 = tpu.memref_squeeze %dma_wait3A_200 : memref<1x320x64xf32, #tpu.memory_space<vmem>> -> memref<320x64xf32, #tpu.memory_space<vmem>>
      %dma_wait3A_202 = arith.constant 0 : i32
      %dma_wait3A_203 = tpu.memref_slice %arg5[%dma_wait3A_195, %dma_wait3A_202] : memref<5x320xi32, #tpu.memory_space<vmem>> -> memref<1x320xi32, #tpu.memory_space<vmem>>
      %dma_wait3A_204 = tpu.memref_squeeze %dma_wait3A_203 : memref<1x320xi32, #tpu.memory_space<vmem>> -> memref<320xi32, #tpu.memory_space<vmem>>
      %dma_wait3A_205 = arith.constant 0 : i32
      %dma_wait3A_206 = arith.constant 0 : i32
      %dma_wait3A_207 = tpu.memref_slice %arg3[%dma_wait3A_205, %dma_wait3A_206] : memref<1000000x64xf32, #tpu.memory_space<hbm>> -> memref<1000000x64xf32, #tpu.memory_space<hbm>>
      %dma_wait3A_208 = tpu.memref_slice %arg7[%dma_wait3A_197] : memref<5x!tpu.dma_semaphore, #tpu.memory_space<semaphore_mem>> -> memref<1x!tpu.dma_semaphore, #tpu.memory_space<semaphore_mem>>
      %dma_wait3A_209 = tpu.memref_squeeze %dma_wait3A_208 : memref<1x!tpu.dma_semaphore, #tpu.memory_space<semaphore_mem>> -> memref<!tpu.dma_semaphore, #tpu.memory_space<semaphore_mem>>
      tpu.wait_indirect_dma semaphore(%dma_wait3A_209 : memref<!tpu.dma_semaphore, #tpu.memory_space<semaphore_mem>>) src(%dma_wait3A_207 : memref<1000000x64xf32, #tpu.memory_space<hbm>>) dst(%dma_wait3A_201 : memref<320x64xf32, #tpu.memory_space<vmem>>)
      %mul3A_210 = arith.constant 320 : i32
      %mul3A_211 = arith.muli %add3A_194, %mul3A_210 : i32
      %add3A_212 = arith.addi %mul3A_2, %mul3A_211 : i32
      %dma_start3A_213 = arith.constant 1 : i32
      %dma_start3A_214 = arith.constant 1 : i32
      %dma_start3A_215 = arith.constant 0 : i32
      %dma_start3A_216 = arith.constant 0 : i32
      %dma_start3A_217 = tpu.memref_slice %arg6[%dma_start3A_213, %dma_start3A_215, %dma_start3A_216] : memref<5x320x64xf32, #tpu.memory_space<vmem>> -> memref<1x320x64xf32, #tpu.memory_space<vmem>>
      %dma_start3A_218 = tpu.memref_squeeze %dma_start3A_217 : memref<1x320x64xf32, #tpu.memory_space<vmem>> -> memref<320x64xf32, #tpu.memory_space<vmem>>
      %dma_start3A_219 = arith.constant 0 : i32
      %dma_start3A_220 = tpu.memref_slice %arg4[%add3A_212, %dma_start3A_219] : memref<819200x64xf32, #tpu.memory_space<hbm>> -> memref<320x64xf32, #tpu.memory_space<hbm>>
      %dma_start3A_221 = tpu.memref_slice %arg8[%dma_start3A_214] : memref<5x!tpu.dma_semaphore, #tpu.memory_space<semaphore_mem>> -> memref<1x!tpu.dma_semaphore, #tpu.memory_space<semaphore_mem>>
      %dma_start3A_222 = tpu.memref_squeeze %dma_start3A_221 : memref<1x!tpu.dma_semaphore, #tpu.memory_space<semaphore_mem>> -> memref<!tpu.dma_semaphore, #tpu.memory_space<semaphore_mem>>
      %dma_start3A_223 = arith.constant 0 : i32
      %dma_start3A_224 = tpu.memref_slice %arg4[%add3A_212, %dma_start3A_223] : memref<819200x64xf32, #tpu.memory_space<hbm>> -> memref<320x64xf32, #tpu.memory_space<hbm>>
      %dma_start3A_225 = arith.constant 0 : i32
      %dma_start3A_226 = arith.constant 0 : i32
      %dma_start3A_227 = tpu.memref_slice %arg6[%dma_start3A_213, %dma_start3A_225, %dma_start3A_226] : memref<5x320x64xf32, #tpu.memory_space<vmem>> -> memref<1x320x64xf32, #tpu.memory_space<vmem>>
      %dma_start3A_228 = tpu.memref_squeeze %dma_start3A_227 : memref<1x320x64xf32, #tpu.memory_space<vmem>> -> memref<320x64xf32, #tpu.memory_space<vmem>>
      tpu.enqueue_dma source(%dma_start3A_228 : memref<320x64xf32, #tpu.memory_space<vmem>>) target(%dma_start3A_224 : memref<320x64xf32, #tpu.memory_space<hbm>>) target_semaphore(%dma_start3A_222 : memref<!tpu.dma_semaphore, #tpu.memory_space<semaphore_mem>>)
      %add3A_229 = arith.constant 3 : i32
      %add3A_230 = arith.addi %add3A_194, %add3A_229 : i32
      %lt3A_231 = arith.constant 80 : i32
      %lt3A_232 = arith.cmpi slt, %add3A_230, %lt3A_231 : i32
      %convert_element_type3A_233 = arith.extui %lt3A_232 : i1 to i32
      %cond3A_234 = arith.constant 0 : i32
      %cond3A_235 = arith.cmpi ne, %convert_element_type3A_233, %cond3A_234 : i32
      scf.if %cond3A_235 {
        %ge3A = arith.constant 2 : i32
        %ge3A_365 = arith.cmpi sge, %add3A_194, %ge3A : i32
        %convert_element_type3A_366 = arith.extui %ge3A_365 : i1 to i32
        %cond3A_367 = arith.constant 0 : i32
        %cond3A_368 = arith.cmpi ne, %convert_element_type3A_366, %cond3A_367 : i32
        scf.if %cond3A_368 {
          %sub3A = arith.constant 2 : i32
          %sub3A_390 = arith.subi %add3A_194, %sub3A : i32
          %mul3A_391 = arith.constant 320 : i32
          %mul3A_392 = arith.muli %sub3A_390, %mul3A_391 : i32
          %add3A_393 = arith.addi %mul3A_2, %mul3A_392 : i32
          %dma_wait3A_394 = arith.constant 4 : i32
          %dma_wait3A_395 = arith.constant 4 : i32
          %dma_wait3A_396 = arith.constant 0 : i32
          %dma_wait3A_397 = arith.constant 0 : i32
          %dma_wait3A_398 = tpu.memref_slice %arg6[%dma_wait3A_394, %dma_wait3A_396, %dma_wait3A_397] : memref<5x320x64xf32, #tpu.memory_space<vmem>> -> memref<1x320x64xf32, #tpu.memory_space<vmem>>
          %dma_wait3A_399 = tpu.memref_squeeze %dma_wait3A_398 : memref<1x320x64xf32, #tpu.memory_space<vmem>> -> memref<320x64xf32, #tpu.memory_space<vmem>>
          %dma_wait3A_400 = arith.constant 0 : i32
          %dma_wait3A_401 = tpu.memref_slice %arg4[%add3A_393, %dma_wait3A_400] : memref<819200x64xf32, #tpu.memory_space<hbm>> -> memref<320x64xf32, #tpu.memory_space<hbm>>
          %dma_wait3A_402 = tpu.memref_slice %arg8[%dma_wait3A_395] : memref<5x!tpu.dma_semaphore, #tpu.memory_space<semaphore_mem>> -> memref<1x!tpu.dma_semaphore, #tpu.memory_space<semaphore_mem>>
          %dma_wait3A_403 = tpu.memref_squeeze %dma_wait3A_402 : memref<1x!tpu.dma_semaphore, #tpu.memory_space<semaphore_mem>> -> memref<!tpu.dma_semaphore, #tpu.memory_space<semaphore_mem>>
          %dma_wait3A_404 = arith.constant 0 : i32
          %dma_wait3A_405 = tpu.memref_slice %arg4[%add3A_393, %dma_wait3A_404] : memref<819200x64xf32, #tpu.memory_space<hbm>> -> memref<320x64xf32, #tpu.memory_space<hbm>>
          %dma_wait3A_406 = arith.constant 0 : i32
          %dma_wait3A_407 = arith.constant 0 : i32
          %dma_wait3A_408 = tpu.memref_slice %arg6[%dma_wait3A_394, %dma_wait3A_406, %dma_wait3A_407] : memref<5x320x64xf32, #tpu.memory_space<vmem>> -> memref<1x320x64xf32, #tpu.memory_space<vmem>>
          %dma_wait3A_409 = tpu.memref_squeeze %dma_wait3A_408 : memref<1x320x64xf32, #tpu.memory_space<vmem>> -> memref<320x64xf32, #tpu.memory_space<vmem>>
          tpu.wait_dma2 semaphore(%dma_wait3A_403 : memref<!tpu.dma_semaphore, #tpu.memory_space<semaphore_mem>>) src(%dma_wait3A_409 : memref<320x64xf32, #tpu.memory_space<vmem>>) dst(%dma_wait3A_405 : memref<320x64xf32, #tpu.memory_space<hbm>>)
        } else {
        }
        %add3A_369 = arith.constant 3 : i32
        %add3A_370 = arith.addi %add3A_194, %add3A_369 : i32
        %mul3A_371 = arith.constant 320 : i32
        %mul3A_372 = arith.muli %add3A_370, %mul3A_371 : i32
        %add3A_373 = arith.addi %mul3A_2, %mul3A_372 : i32
        %run_scoped3A_374 = arith.constant 4 : i32
        "tpu.region"() ({
          %run_scoped3A_390 = tpu.sem_alloc : memref<!tpu.dma_semaphore, #tpu.memory_space<semaphore_mem>>
          %dma_start3A_391 = arith.constant 0 : i32
          %dma_start3A_392 = tpu.memref_slice %arg5[%run_scoped3A_374, %dma_start3A_391] : memref<5x320xi32, #tpu.memory_space<vmem>> -> memref<1x320xi32, #tpu.memory_space<vmem>>
          %dma_start3A_393 = tpu.memref_squeeze %dma_start3A_392 : memref<1x320xi32, #tpu.memory_space<vmem>> -> memref<320xi32, #tpu.memory_space<vmem>>
          %dma_start3A_394 = tpu.memref_slice %arg2[%add3A_373] : memref<819200xi32, #tpu.memory_space<hbm>> -> memref<320xi32, #tpu.memory_space<hbm>>
          %dma_start3A_395 = arith.constant 0 : i32
          %dma_start3A_396 = tpu.memref_slice %arg5[%run_scoped3A_374, %dma_start3A_395] : memref<5x320xi32, #tpu.memory_space<vmem>> -> memref<1x320xi32, #tpu.memory_space<vmem>>
          %dma_start3A_397 = tpu.memref_squeeze %dma_start3A_396 : memref<1x320xi32, #tpu.memory_space<vmem>> -> memref<320xi32, #tpu.memory_space<vmem>>
          %dma_start3A_398 = tpu.memref_slice %arg2[%add3A_373] : memref<819200xi32, #tpu.memory_space<hbm>> -> memref<320xi32, #tpu.memory_space<hbm>>
          tpu.enqueue_dma source(%dma_start3A_398 : memref<320xi32, #tpu.memory_space<hbm>>) target(%dma_start3A_397 : memref<320xi32, #tpu.memory_space<vmem>>) target_semaphore(%run_scoped3A_390 : memref<!tpu.dma_semaphore, #tpu.memory_space<semaphore_mem>>)
          %dma_wait3A_399 = arith.constant 0 : i32
          %dma_wait3A_400 = tpu.memref_slice %arg5[%run_scoped3A_374, %dma_wait3A_399] : memref<5x320xi32, #tpu.memory_space<vmem>> -> memref<1x320xi32, #tpu.memory_space<vmem>>
          %dma_wait3A_401 = tpu.memref_squeeze %dma_wait3A_400 : memref<1x320xi32, #tpu.memory_space<vmem>> -> memref<320xi32, #tpu.memory_space<vmem>>
          %dma_wait3A_402 = tpu.memref_slice %arg2[%add3A_373] : memref<819200xi32, #tpu.memory_space<hbm>> -> memref<320xi32, #tpu.memory_space<hbm>>
          %dma_wait3A_403 = arith.constant 0 : i32
          %dma_wait3A_404 = tpu.memref_slice %arg5[%run_scoped3A_374, %dma_wait3A_403] : memref<5x320xi32, #tpu.memory_space<vmem>> -> memref<1x320xi32, #tpu.memory_space<vmem>>
          %dma_wait3A_405 = tpu.memref_squeeze %dma_wait3A_404 : memref<1x320xi32, #tpu.memory_space<vmem>> -> memref<320xi32, #tpu.memory_space<vmem>>
          %dma_wait3A_406 = tpu.memref_slice %arg2[%add3A_373] : memref<819200xi32, #tpu.memory_space<hbm>> -> memref<320xi32, #tpu.memory_space<hbm>>
          tpu.wait_dma2 semaphore(%run_scoped3A_390 : memref<!tpu.dma_semaphore, #tpu.memory_space<semaphore_mem>>) src(%dma_wait3A_406 : memref<320xi32, #tpu.memory_space<hbm>>) dst(%dma_wait3A_405 : memref<320xi32, #tpu.memory_space<vmem>>)
          tpu.yield
        }) : () -> ()
        %dma_start3A_375 = arith.constant 4 : i32
        %dma_start3A_376 = arith.constant 4 : i32
        %dma_start3A_377 = arith.constant 4 : i32
        %dma_start3A_378 = arith.constant 0 : i32
        %dma_start3A_379 = arith.constant 0 : i32
        %dma_start3A_380 = tpu.memref_slice %arg6[%dma_start3A_376, %dma_start3A_378, %dma_start3A_379] : memref<5x320x64xf32, #tpu.memory_space<vmem>> -> memref<1x320x64xf32, #tpu.memory_space<vmem>>
        %dma_start3A_381 = tpu.memref_squeeze %dma_start3A_380 : memref<1x320x64xf32, #tpu.memory_space<vmem>> -> memref<320x64xf32, #tpu.memory_space<vmem>>
        %dma_start3A_382 = arith.constant 0 : i32
        %dma_start3A_383 = tpu.memref_slice %arg5[%dma_start3A_375, %dma_start3A_382] : memref<5x320xi32, #tpu.memory_space<vmem>> -> memref<1x320xi32, #tpu.memory_space<vmem>>
        %dma_start3A_384 = tpu.memref_squeeze %dma_start3A_383 : memref<1x320xi32, #tpu.memory_space<vmem>> -> memref<320xi32, #tpu.memory_space<vmem>>
        %dma_start3A_385 = arith.constant 0 : i32
        %dma_start3A_386 = arith.constant 0 : i32
        %dma_start3A_387 = tpu.memref_slice %arg3[%dma_start3A_385, %dma_start3A_386] : memref<1000000x64xf32, #tpu.memory_space<hbm>> -> memref<1000000x64xf32, #tpu.memory_space<hbm>>
        %dma_start3A_388 = tpu.memref_slice %arg7[%dma_start3A_377] : memref<5x!tpu.dma_semaphore, #tpu.memory_space<semaphore_mem>> -> memref<1x!tpu.dma_semaphore, #tpu.memory_space<semaphore_mem>>
        %dma_start3A_389 = tpu.memref_squeeze %dma_start3A_388 : memref<1x!tpu.dma_semaphore, #tpu.memory_space<semaphore_mem>> -> memref<!tpu.dma_semaphore, #tpu.memory_space<semaphore_mem>>
        tpu.enqueue_indirect_dma source(%dma_start3A_387 : memref<1000000x64xf32, #tpu.memory_space<hbm>>) target(%dma_start3A_381 : memref<320x64xf32, #tpu.memory_space<vmem>>) offsets(%dma_start3A_384 : memref<320xi32, #tpu.memory_space<vmem>>) semaphore(%dma_start3A_389 : memref<!tpu.dma_semaphore, #tpu.memory_space<semaphore_mem>>)
      } else {
      }
      %add3A_236 = arith.constant 2 : i32
      %add3A_237 = arith.addi %add3A_152, %add3A_236 : i32
      %dma_wait3A_238 = arith.constant 2 : i32
      %dma_wait3A_239 = arith.constant 2 : i32
      %dma_wait3A_240 = arith.constant 2 : i32
      %dma_wait3A_241 = arith.constant 0 : i32
      %dma_wait3A_242 = arith.constant 0 : i32
      %dma_wait3A_243 = tpu.memref_slice %arg6[%dma_wait3A_239, %dma_wait3A_241, %dma_wait3A_242] : memref<5x320x64xf32, #tpu.memory_space<vmem>> -> memref<1x320x64xf32, #tpu.memory_space<vmem>>
      %dma_wait3A_244 = tpu.memref_squeeze %dma_wait3A_243 : memref<1x320x64xf32, #tpu.memory_space<vmem>> -> memref<320x64xf32, #tpu.memory_space<vmem>>
      %dma_wait3A_245 = arith.constant 0 : i32
      %dma_wait3A_246 = tpu.memref_slice %arg5[%dma_wait3A_238, %dma_wait3A_245] : memref<5x320xi32, #tpu.memory_space<vmem>> -> memref<1x320xi32, #tpu.memory_space<vmem>>
      %dma_wait3A_247 = tpu.memref_squeeze %dma_wait3A_246 : memref<1x320xi32, #tpu.memory_space<vmem>> -> memref<320xi32, #tpu.memory_space<vmem>>
      %dma_wait3A_248 = arith.constant 0 : i32
      %dma_wait3A_249 = arith.constant 0 : i32
      %dma_wait3A_250 = tpu.memref_slice %arg3[%dma_wait3A_248, %dma_wait3A_249] : memref<1000000x64xf32, #tpu.memory_space<hbm>> -> memref<1000000x64xf32, #tpu.memory_space<hbm>>
      %dma_wait3A_251 = tpu.memref_slice %arg7[%dma_wait3A_240] : memref<5x!tpu.dma_semaphore, #tpu.memory_space<semaphore_mem>> -> memref<1x!tpu.dma_semaphore, #tpu.memory_space<semaphore_mem>>
      %dma_wait3A_252 = tpu.memref_squeeze %dma_wait3A_251 : memref<1x!tpu.dma_semaphore, #tpu.memory_space<semaphore_mem>> -> memref<!tpu.dma_semaphore, #tpu.memory_space<semaphore_mem>>
      tpu.wait_indirect_dma semaphore(%dma_wait3A_252 : memref<!tpu.dma_semaphore, #tpu.memory_space<semaphore_mem>>) src(%dma_wait3A_250 : memref<1000000x64xf32, #tpu.memory_space<hbm>>) dst(%dma_wait3A_244 : memref<320x64xf32, #tpu.memory_space<vmem>>)
      %mul3A_253 = arith.constant 320 : i32
      %mul3A_254 = arith.muli %add3A_237, %mul3A_253 : i32
      %add3A_255 = arith.addi %mul3A_2, %mul3A_254 : i32
      %dma_start3A_256 = arith.constant 2 : i32
      %dma_start3A_257 = arith.constant 2 : i32
      %dma_start3A_258 = arith.constant 0 : i32
      %dma_start3A_259 = arith.constant 0 : i32
      %dma_start3A_260 = tpu.memref_slice %arg6[%dma_start3A_256, %dma_start3A_258, %dma_start3A_259] : memref<5x320x64xf32, #tpu.memory_space<vmem>> -> memref<1x320x64xf32, #tpu.memory_space<vmem>>
      %dma_start3A_261 = tpu.memref_squeeze %dma_start3A_260 : memref<1x320x64xf32, #tpu.memory_space<vmem>> -> memref<320x64xf32, #tpu.memory_space<vmem>>
      %dma_start3A_262 = arith.constant 0 : i32
      %dma_start3A_263 = tpu.memref_slice %arg4[%add3A_255, %dma_start3A_262] : memref<819200x64xf32, #tpu.memory_space<hbm>> -> memref<320x64xf32, #tpu.memory_space<hbm>>
      %dma_start3A_264 = tpu.memref_slice %arg8[%dma_start3A_257] : memref<5x!tpu.dma_semaphore, #tpu.memory_space<semaphore_mem>> -> memref<1x!tpu.dma_semaphore, #tpu.memory_space<semaphore_mem>>
      %dma_start3A_265 = tpu.memref_squeeze %dma_start3A_264 : memref<1x!tpu.dma_semaphore, #tpu.memory_space<semaphore_mem>> -> memref<!tpu.dma_semaphore, #tpu.memory_space<semaphore_mem>>
      %dma_start3A_266 = arith.constant 0 : i32
      %dma_start3A_267 = tpu.memref_slice %arg4[%add3A_255, %dma_start3A_266] : memref<819200x64xf32, #tpu.memory_space<hbm>> -> memref<320x64xf32, #tpu.memory_space<hbm>>
      %dma_start3A_268 = arith.constant 0 : i32
      %dma_start3A_269 = arith.constant 0 : i32
      %dma_start3A_270 = tpu.memref_slice %arg6[%dma_start3A_256, %dma_start3A_268, %dma_start3A_269] : memref<5x320x64xf32, #tpu.memory_space<vmem>> -> memref<1x320x64xf32, #tpu.memory_space<vmem>>
      %dma_start3A_271 = tpu.memref_squeeze %dma_start3A_270 : memref<1x320x64xf32, #tpu.memory_space<vmem>> -> memref<320x64xf32, #tpu.memory_space<vmem>>
      tpu.enqueue_dma source(%dma_start3A_271 : memref<320x64xf32, #tpu.memory_space<vmem>>) target(%dma_start3A_267 : memref<320x64xf32, #tpu.memory_space<hbm>>) target_semaphore(%dma_start3A_265 : memref<!tpu.dma_semaphore, #tpu.memory_space<semaphore_mem>>)
      %add3A_272 = arith.constant 3 : i32
      %add3A_273 = arith.addi %add3A_237, %add3A_272 : i32
      %lt3A_274 = arith.constant 80 : i32
      %lt3A_275 = arith.cmpi slt, %add3A_273, %lt3A_274 : i32
      %convert_element_type3A_276 = arith.extui %lt3A_275 : i1 to i32
      %cond3A_277 = arith.constant 0 : i32
      %cond3A_278 = arith.cmpi ne, %convert_element_type3A_276, %cond3A_277 : i32
      scf.if %cond3A_278 {
        %ge3A = arith.constant 2 : i32
        %ge3A_365 = arith.cmpi sge, %add3A_237, %ge3A : i32
        %convert_element_type3A_366 = arith.extui %ge3A_365 : i1 to i32
        %cond3A_367 = arith.constant 0 : i32
        %cond3A_368 = arith.cmpi ne, %convert_element_type3A_366, %cond3A_367 : i32
        scf.if %cond3A_368 {
          %sub3A = arith.constant 2 : i32
          %sub3A_390 = arith.subi %add3A_237, %sub3A : i32
          %mul3A_391 = arith.constant 320 : i32
          %mul3A_392 = arith.muli %sub3A_390, %mul3A_391 : i32
          %add3A_393 = arith.addi %mul3A_2, %mul3A_392 : i32
          %dma_wait3A_394 = arith.constant 0 : i32
          %dma_wait3A_395 = arith.constant 0 : i32
          %dma_wait3A_396 = arith.constant 0 : i32
          %dma_wait3A_397 = arith.constant 0 : i32
          %dma_wait3A_398 = tpu.memref_slice %arg6[%dma_wait3A_394, %dma_wait3A_396, %dma_wait3A_397] : memref<5x320x64xf32, #tpu.memory_space<vmem>> -> memref<1x320x64xf32, #tpu.memory_space<vmem>>
          %dma_wait3A_399 = tpu.memref_squeeze %dma_wait3A_398 : memref<1x320x64xf32, #tpu.memory_space<vmem>> -> memref<320x64xf32, #tpu.memory_space<vmem>>
          %dma_wait3A_400 = arith.constant 0 : i32
          %dma_wait3A_401 = tpu.memref_slice %arg4[%add3A_393, %dma_wait3A_400] : memref<819200x64xf32, #tpu.memory_space<hbm>> -> memref<320x64xf32, #tpu.memory_space<hbm>>
          %dma_wait3A_402 = tpu.memref_slice %arg8[%dma_wait3A_395] : memref<5x!tpu.dma_semaphore, #tpu.memory_space<semaphore_mem>> -> memref<1x!tpu.dma_semaphore, #tpu.memory_space<semaphore_mem>>
          %dma_wait3A_403 = tpu.memref_squeeze %dma_wait3A_402 : memref<1x!tpu.dma_semaphore, #tpu.memory_space<semaphore_mem>> -> memref<!tpu.dma_semaphore, #tpu.memory_space<semaphore_mem>>
          %dma_wait3A_404 = arith.constant 0 : i32
          %dma_wait3A_405 = tpu.memref_slice %arg4[%add3A_393, %dma_wait3A_404] : memref<819200x64xf32, #tpu.memory_space<hbm>> -> memref<320x64xf32, #tpu.memory_space<hbm>>
          %dma_wait3A_406 = arith.constant 0 : i32
          %dma_wait3A_407 = arith.constant 0 : i32
          %dma_wait3A_408 = tpu.memref_slice %arg6[%dma_wait3A_394, %dma_wait3A_406, %dma_wait3A_407] : memref<5x320x64xf32, #tpu.memory_space<vmem>> -> memref<1x320x64xf32, #tpu.memory_space<vmem>>
          %dma_wait3A_409 = tpu.memref_squeeze %dma_wait3A_408 : memref<1x320x64xf32, #tpu.memory_space<vmem>> -> memref<320x64xf32, #tpu.memory_space<vmem>>
          tpu.wait_dma2 semaphore(%dma_wait3A_403 : memref<!tpu.dma_semaphore, #tpu.memory_space<semaphore_mem>>) src(%dma_wait3A_409 : memref<320x64xf32, #tpu.memory_space<vmem>>) dst(%dma_wait3A_405 : memref<320x64xf32, #tpu.memory_space<hbm>>)
        } else {
        }
        %add3A_369 = arith.constant 3 : i32
        %add3A_370 = arith.addi %add3A_237, %add3A_369 : i32
        %mul3A_371 = arith.constant 320 : i32
        %mul3A_372 = arith.muli %add3A_370, %mul3A_371 : i32
        %add3A_373 = arith.addi %mul3A_2, %mul3A_372 : i32
        %run_scoped3A_374 = arith.constant 0 : i32
        "tpu.region"() ({
          %run_scoped3A_390 = tpu.sem_alloc : memref<!tpu.dma_semaphore, #tpu.memory_space<semaphore_mem>>
          %dma_start3A_391 = arith.constant 0 : i32
          %dma_start3A_392 = tpu.memref_slice %arg5[%run_scoped3A_374, %dma_start3A_391] : memref<5x320xi32, #tpu.memory_space<vmem>> -> memref<1x320xi32, #tpu.memory_space<vmem>>
          %dma_start3A_393 = tpu.memref_squeeze %dma_start3A_392 : memref<1x320xi32, #tpu.memory_space<vmem>> -> memref<320xi32, #tpu.memory_space<vmem>>
          %dma_start3A_394 = tpu.memref_slice %arg2[%add3A_373] : memref<819200xi32, #tpu.memory_space<hbm>> -> memref<320xi32, #tpu.memory_space<hbm>>
          %dma_start3A_395 = arith.constant 0 : i32
          %dma_start3A_396 = tpu.memref_slice %arg5[%run_scoped3A_374, %dma_start3A_395] : memref<5x320xi32, #tpu.memory_space<vmem>> -> memref<1x320xi32, #tpu.memory_space<vmem>>
          %dma_start3A_397 = tpu.memref_squeeze %dma_start3A_396 : memref<1x320xi32, #tpu.memory_space<vmem>> -> memref<320xi32, #tpu.memory_space<vmem>>
          %dma_start3A_398 = tpu.memref_slice %arg2[%add3A_373] : memref<819200xi32, #tpu.memory_space<hbm>> -> memref<320xi32, #tpu.memory_space<hbm>>
          tpu.enqueue_dma source(%dma_start3A_398 : memref<320xi32, #tpu.memory_space<hbm>>) target(%dma_start3A_397 : memref<320xi32, #tpu.memory_space<vmem>>) target_semaphore(%run_scoped3A_390 : memref<!tpu.dma_semaphore, #tpu.memory_space<semaphore_mem>>)
          %dma_wait3A_399 = arith.constant 0 : i32
          %dma_wait3A_400 = tpu.memref_slice %arg5[%run_scoped3A_374, %dma_wait3A_399] : memref<5x320xi32, #tpu.memory_space<vmem>> -> memref<1x320xi32, #tpu.memory_space<vmem>>
          %dma_wait3A_401 = tpu.memref_squeeze %dma_wait3A_400 : memref<1x320xi32, #tpu.memory_space<vmem>> -> memref<320xi32, #tpu.memory_space<vmem>>
          %dma_wait3A_402 = tpu.memref_slice %arg2[%add3A_373] : memref<819200xi32, #tpu.memory_space<hbm>> -> memref<320xi32, #tpu.memory_space<hbm>>
          %dma_wait3A_403 = arith.constant 0 : i32
          %dma_wait3A_404 = tpu.memref_slice %arg5[%run_scoped3A_374, %dma_wait3A_403] : memref<5x320xi32, #tpu.memory_space<vmem>> -> memref<1x320xi32, #tpu.memory_space<vmem>>
          %dma_wait3A_405 = tpu.memref_squeeze %dma_wait3A_404 : memref<1x320xi32, #tpu.memory_space<vmem>> -> memref<320xi32, #tpu.memory_space<vmem>>
          %dma_wait3A_406 = tpu.memref_slice %arg2[%add3A_373] : memref<819200xi32, #tpu.memory_space<hbm>> -> memref<320xi32, #tpu.memory_space<hbm>>
          tpu.wait_dma2 semaphore(%run_scoped3A_390 : memref<!tpu.dma_semaphore, #tpu.memory_space<semaphore_mem>>) src(%dma_wait3A_406 : memref<320xi32, #tpu.memory_space<hbm>>) dst(%dma_wait3A_405 : memref<320xi32, #tpu.memory_space<vmem>>)
          tpu.yield
        }) : () -> ()
        %dma_start3A_375 = arith.constant 0 : i32
        %dma_start3A_376 = arith.constant 0 : i32
        %dma_start3A_377 = arith.constant 0 : i32
        %dma_start3A_378 = arith.constant 0 : i32
        %dma_start3A_379 = arith.constant 0 : i32
        %dma_start3A_380 = tpu.memref_slice %arg6[%dma_start3A_376, %dma_start3A_378, %dma_start3A_379] : memref<5x320x64xf32, #tpu.memory_space<vmem>> -> memref<1x320x64xf32, #tpu.memory_space<vmem>>
        %dma_start3A_381 = tpu.memref_squeeze %dma_start3A_380 : memref<1x320x64xf32, #tpu.memory_space<vmem>> -> memref<320x64xf32, #tpu.memory_space<vmem>>
        %dma_start3A_382 = arith.constant 0 : i32
        %dma_start3A_383 = tpu.memref_slice %arg5[%dma_start3A_375, %dma_start3A_382] : memref<5x320xi32, #tpu.memory_space<vmem>> -> memref<1x320xi32, #tpu.memory_space<vmem>>
        %dma_start3A_384 = tpu.memref_squeeze %dma_start3A_383 : memref<1x320xi32, #tpu.memory_space<vmem>> -> memref<320xi32, #tpu.memory_space<vmem>>
        %dma_start3A_385 = arith.constant 0 : i32
        %dma_start3A_386 = arith.constant 0 : i32
        %dma_start3A_387 = tpu.memref_slice %arg3[%dma_start3A_385, %dma_start3A_386] : memref<1000000x64xf32, #tpu.memory_space<hbm>> -> memref<1000000x64xf32, #tpu.memory_space<hbm>>
        %dma_start3A_388 = tpu.memref_slice %arg7[%dma_start3A_377] : memref<5x!tpu.dma_semaphore, #tpu.memory_space<semaphore_mem>> -> memref<1x!tpu.dma_semaphore, #tpu.memory_space<semaphore_mem>>
        %dma_start3A_389 = tpu.memref_squeeze %dma_start3A_388 : memref<1x!tpu.dma_semaphore, #tpu.memory_space<semaphore_mem>> -> memref<!tpu.dma_semaphore, #tpu.memory_space<semaphore_mem>>
        tpu.enqueue_indirect_dma source(%dma_start3A_387 : memref<1000000x64xf32, #tpu.memory_space<hbm>>) target(%dma_start3A_381 : memref<320x64xf32, #tpu.memory_space<vmem>>) offsets(%dma_start3A_384 : memref<320xi32, #tpu.memory_space<vmem>>) semaphore(%dma_start3A_389 : memref<!tpu.dma_semaphore, #tpu.memory_space<semaphore_mem>>)
      } else {
      }
      %add3A_279 = arith.constant 3 : i32
      %add3A_280 = arith.addi %add3A_152, %add3A_279 : i32
      %dma_wait3A_281 = arith.constant 3 : i32
      %dma_wait3A_282 = arith.constant 3 : i32
      %dma_wait3A_283 = arith.constant 3 : i32
      %dma_wait3A_284 = arith.constant 0 : i32
      %dma_wait3A_285 = arith.constant 0 : i32
      %dma_wait3A_286 = tpu.memref_slice %arg6[%dma_wait3A_282, %dma_wait3A_284, %dma_wait3A_285] : memref<5x320x64xf32, #tpu.memory_space<vmem>> -> memref<1x320x64xf32, #tpu.memory_space<vmem>>
      %dma_wait3A_287 = tpu.memref_squeeze %dma_wait3A_286 : memref<1x320x64xf32, #tpu.memory_space<vmem>> -> memref<320x64xf32, #tpu.memory_space<vmem>>
      %dma_wait3A_288 = arith.constant 0 : i32
      %dma_wait3A_289 = tpu.memref_slice %arg5[%dma_wait3A_281, %dma_wait3A_288] : memref<5x320xi32, #tpu.memory_space<vmem>> -> memref<1x320xi32, #tpu.memory_space<vmem>>
      %dma_wait3A_290 = tpu.memref_squeeze %dma_wait3A_289 : memref<1x320xi32, #tpu.memory_space<vmem>> -> memref<320xi32, #tpu.memory_space<vmem>>
      %dma_wait3A_291 = arith.constant 0 : i32
      %dma_wait3A_292 = arith.constant 0 : i32
      %dma_wait3A_293 = tpu.memref_slice %arg3[%dma_wait3A_291, %dma_wait3A_292] : memref<1000000x64xf32, #tpu.memory_space<hbm>> -> memref<1000000x64xf32, #tpu.memory_space<hbm>>
      %dma_wait3A_294 = tpu.memref_slice %arg7[%dma_wait3A_283] : memref<5x!tpu.dma_semaphore, #tpu.memory_space<semaphore_mem>> -> memref<1x!tpu.dma_semaphore, #tpu.memory_space<semaphore_mem>>
      %dma_wait3A_295 = tpu.memref_squeeze %dma_wait3A_294 : memref<1x!tpu.dma_semaphore, #tpu.memory_space<semaphore_mem>> -> memref<!tpu.dma_semaphore, #tpu.memory_space<semaphore_mem>>
      tpu.wait_indirect_dma semaphore(%dma_wait3A_295 : memref<!tpu.dma_semaphore, #tpu.memory_space<semaphore_mem>>) src(%dma_wait3A_293 : memref<1000000x64xf32, #tpu.memory_space<hbm>>) dst(%dma_wait3A_287 : memref<320x64xf32, #tpu.memory_space<vmem>>)
      %mul3A_296 = arith.constant 320 : i32
      %mul3A_297 = arith.muli %add3A_280, %mul3A_296 : i32
      %add3A_298 = arith.addi %mul3A_2, %mul3A_297 : i32
      %dma_start3A_299 = arith.constant 3 : i32
      %dma_start3A_300 = arith.constant 3 : i32
      %dma_start3A_301 = arith.constant 0 : i32
      %dma_start3A_302 = arith.constant 0 : i32
      %dma_start3A_303 = tpu.memref_slice %arg6[%dma_start3A_299, %dma_start3A_301, %dma_start3A_302] : memref<5x320x64xf32, #tpu.memory_space<vmem>> -> memref<1x320x64xf32, #tpu.memory_space<vmem>>
      %dma_start3A_304 = tpu.memref_squeeze %dma_start3A_303 : memref<1x320x64xf32, #tpu.memory_space<vmem>> -> memref<320x64xf32, #tpu.memory_space<vmem>>
      %dma_start3A_305 = arith.constant 0 : i32
      %dma_start3A_306 = tpu.memref_slice %arg4[%add3A_298, %dma_start3A_305] : memref<819200x64xf32, #tpu.memory_space<hbm>> -> memref<320x64xf32, #tpu.memory_space<hbm>>
      %dma_start3A_307 = tpu.memref_slice %arg8[%dma_start3A_300] : memref<5x!tpu.dma_semaphore, #tpu.memory_space<semaphore_mem>> -> memref<1x!tpu.dma_semaphore, #tpu.memory_space<semaphore_mem>>
      %dma_start3A_308 = tpu.memref_squeeze %dma_start3A_307 : memref<1x!tpu.dma_semaphore, #tpu.memory_space<semaphore_mem>> -> memref<!tpu.dma_semaphore, #tpu.memory_space<semaphore_mem>>
      %dma_start3A_309 = arith.constant 0 : i32
      %dma_start3A_310 = tpu.memref_slice %arg4[%add3A_298, %dma_start3A_309] : memref<819200x64xf32, #tpu.memory_space<hbm>> -> memref<320x64xf32, #tpu.memory_space<hbm>>
      %dma_start3A_311 = arith.constant 0 : i32
      %dma_start3A_312 = arith.constant 0 : i32
      %dma_start3A_313 = tpu.memref_slice %arg6[%dma_start3A_299, %dma_start3A_311, %dma_start3A_312] : memref<5x320x64xf32, #tpu.memory_space<vmem>> -> memref<1x320x64xf32, #tpu.memory_space<vmem>>
      %dma_start3A_314 = tpu.memref_squeeze %dma_start3A_313 : memref<1x320x64xf32, #tpu.memory_space<vmem>> -> memref<320x64xf32, #tpu.memory_space<vmem>>
      tpu.enqueue_dma source(%dma_start3A_314 : memref<320x64xf32, #tpu.memory_space<vmem>>) target(%dma_start3A_310 : memref<320x64xf32, #tpu.memory_space<hbm>>) target_semaphore(%dma_start3A_308 : memref<!tpu.dma_semaphore, #tpu.memory_space<semaphore_mem>>)
      %add3A_315 = arith.constant 3 : i32
      %add3A_316 = arith.addi %add3A_280, %add3A_315 : i32
      %lt3A_317 = arith.constant 80 : i32
      %lt3A_318 = arith.cmpi slt, %add3A_316, %lt3A_317 : i32
      %convert_element_type3A_319 = arith.extui %lt3A_318 : i1 to i32
      %cond3A_320 = arith.constant 0 : i32
      %cond3A_321 = arith.cmpi ne, %convert_element_type3A_319, %cond3A_320 : i32
      scf.if %cond3A_321 {
        %ge3A = arith.constant 2 : i32
        %ge3A_365 = arith.cmpi sge, %add3A_280, %ge3A : i32
        %convert_element_type3A_366 = arith.extui %ge3A_365 : i1 to i32
        %cond3A_367 = arith.constant 0 : i32
        %cond3A_368 = arith.cmpi ne, %convert_element_type3A_366, %cond3A_367 : i32
        scf.if %cond3A_368 {
          %sub3A = arith.constant 2 : i32
          %sub3A_390 = arith.subi %add3A_280, %sub3A : i32
          %mul3A_391 = arith.constant 320 : i32
          %mul3A_392 = arith.muli %sub3A_390, %mul3A_391 : i32
          %add3A_393 = arith.addi %mul3A_2, %mul3A_392 : i32
          %dma_wait3A_394 = arith.constant 1 : i32
          %dma_wait3A_395 = arith.constant 1 : i32
          %dma_wait3A_396 = arith.constant 0 : i32
          %dma_wait3A_397 = arith.constant 0 : i32
          %dma_wait3A_398 = tpu.memref_slice %arg6[%dma_wait3A_394, %dma_wait3A_396, %dma_wait3A_397] : memref<5x320x64xf32, #tpu.memory_space<vmem>> -> memref<1x320x64xf32, #tpu.memory_space<vmem>>
          %dma_wait3A_399 = tpu.memref_squeeze %dma_wait3A_398 : memref<1x320x64xf32, #tpu.memory_space<vmem>> -> memref<320x64xf32, #tpu.memory_space<vmem>>
          %dma_wait3A_400 = arith.constant 0 : i32
          %dma_wait3A_401 = tpu.memref_slice %arg4[%add3A_393, %dma_wait3A_400] : memref<819200x64xf32, #tpu.memory_space<hbm>> -> memref<320x64xf32, #tpu.memory_space<hbm>>
          %dma_wait3A_402 = tpu.memref_slice %arg8[%dma_wait3A_395] : memref<5x!tpu.dma_semaphore, #tpu.memory_space<semaphore_mem>> -> memref<1x!tpu.dma_semaphore, #tpu.memory_space<semaphore_mem>>
          %dma_wait3A_403 = tpu.memref_squeeze %dma_wait3A_402 : memref<1x!tpu.dma_semaphore, #tpu.memory_space<semaphore_mem>> -> memref<!tpu.dma_semaphore, #tpu.memory_space<semaphore_mem>>
          %dma_wait3A_404 = arith.constant 0 : i32
          %dma_wait3A_405 = tpu.memref_slice %arg4[%add3A_393, %dma_wait3A_404] : memref<819200x64xf32, #tpu.memory_space<hbm>> -> memref<320x64xf32, #tpu.memory_space<hbm>>
          %dma_wait3A_406 = arith.constant 0 : i32
          %dma_wait3A_407 = arith.constant 0 : i32
          %dma_wait3A_408 = tpu.memref_slice %arg6[%dma_wait3A_394, %dma_wait3A_406, %dma_wait3A_407] : memref<5x320x64xf32, #tpu.memory_space<vmem>> -> memref<1x320x64xf32, #tpu.memory_space<vmem>>
          %dma_wait3A_409 = tpu.memref_squeeze %dma_wait3A_408 : memref<1x320x64xf32, #tpu.memory_space<vmem>> -> memref<320x64xf32, #tpu.memory_space<vmem>>
          tpu.wait_dma2 semaphore(%dma_wait3A_403 : memref<!tpu.dma_semaphore, #tpu.memory_space<semaphore_mem>>) src(%dma_wait3A_409 : memref<320x64xf32, #tpu.memory_space<vmem>>) dst(%dma_wait3A_405 : memref<320x64xf32, #tpu.memory_space<hbm>>)
        } else {
        }
        %add3A_369 = arith.constant 3 : i32
        %add3A_370 = arith.addi %add3A_280, %add3A_369 : i32
        %mul3A_371 = arith.constant 320 : i32
        %mul3A_372 = arith.muli %add3A_370, %mul3A_371 : i32
        %add3A_373 = arith.addi %mul3A_2, %mul3A_372 : i32
        %run_scoped3A_374 = arith.constant 1 : i32
        "tpu.region"() ({
          %run_scoped3A_390 = tpu.sem_alloc : memref<!tpu.dma_semaphore, #tpu.memory_space<semaphore_mem>>
          %dma_start3A_391 = arith.constant 0 : i32
          %dma_start3A_392 = tpu.memref_slice %arg5[%run_scoped3A_374, %dma_start3A_391] : memref<5x320xi32, #tpu.memory_space<vmem>> -> memref<1x320xi32, #tpu.memory_space<vmem>>
          %dma_start3A_393 = tpu.memref_squeeze %dma_start3A_392 : memref<1x320xi32, #tpu.memory_space<vmem>> -> memref<320xi32, #tpu.memory_space<vmem>>
          %dma_start3A_394 = tpu.memref_slice %arg2[%add3A_373] : memref<819200xi32, #tpu.memory_space<hbm>> -> memref<320xi32, #tpu.memory_space<hbm>>
          %dma_start3A_395 = arith.constant 0 : i32
          %dma_start3A_396 = tpu.memref_slice %arg5[%run_scoped3A_374, %dma_start3A_395] : memref<5x320xi32, #tpu.memory_space<vmem>> -> memref<1x320xi32, #tpu.memory_space<vmem>>
          %dma_start3A_397 = tpu.memref_squeeze %dma_start3A_396 : memref<1x320xi32, #tpu.memory_space<vmem>> -> memref<320xi32, #tpu.memory_space<vmem>>
          %dma_start3A_398 = tpu.memref_slice %arg2[%add3A_373] : memref<819200xi32, #tpu.memory_space<hbm>> -> memref<320xi32, #tpu.memory_space<hbm>>
          tpu.enqueue_dma source(%dma_start3A_398 : memref<320xi32, #tpu.memory_space<hbm>>) target(%dma_start3A_397 : memref<320xi32, #tpu.memory_space<vmem>>) target_semaphore(%run_scoped3A_390 : memref<!tpu.dma_semaphore, #tpu.memory_space<semaphore_mem>>)
          %dma_wait3A_399 = arith.constant 0 : i32
          %dma_wait3A_400 = tpu.memref_slice %arg5[%run_scoped3A_374, %dma_wait3A_399] : memref<5x320xi32, #tpu.memory_space<vmem>> -> memref<1x320xi32, #tpu.memory_space<vmem>>
          %dma_wait3A_401 = tpu.memref_squeeze %dma_wait3A_400 : memref<1x320xi32, #tpu.memory_space<vmem>> -> memref<320xi32, #tpu.memory_space<vmem>>
          %dma_wait3A_402 = tpu.memref_slice %arg2[%add3A_373] : memref<819200xi32, #tpu.memory_space<hbm>> -> memref<320xi32, #tpu.memory_space<hbm>>
          %dma_wait3A_403 = arith.constant 0 : i32
          %dma_wait3A_404 = tpu.memref_slice %arg5[%run_scoped3A_374, %dma_wait3A_403] : memref<5x320xi32, #tpu.memory_space<vmem>> -> memref<1x320xi32, #tpu.memory_space<vmem>>
          %dma_wait3A_405 = tpu.memref_squeeze %dma_wait3A_404 : memref<1x320xi32, #tpu.memory_space<vmem>> -> memref<320xi32, #tpu.memory_space<vmem>>
          %dma_wait3A_406 = tpu.memref_slice %arg2[%add3A_373] : memref<819200xi32, #tpu.memory_space<hbm>> -> memref<320xi32, #tpu.memory_space<hbm>>
          tpu.wait_dma2 semaphore(%run_scoped3A_390 : memref<!tpu.dma_semaphore, #tpu.memory_space<semaphore_mem>>) src(%dma_wait3A_406 : memref<320xi32, #tpu.memory_space<hbm>>) dst(%dma_wait3A_405 : memref<320xi32, #tpu.memory_space<vmem>>)
          tpu.yield
        }) : () -> ()
        %dma_start3A_375 = arith.constant 1 : i32
        %dma_start3A_376 = arith.constant 1 : i32
        %dma_start3A_377 = arith.constant 1 : i32
        %dma_start3A_378 = arith.constant 0 : i32
        %dma_start3A_379 = arith.constant 0 : i32
        %dma_start3A_380 = tpu.memref_slice %arg6[%dma_start3A_376, %dma_start3A_378, %dma_start3A_379] : memref<5x320x64xf32, #tpu.memory_space<vmem>> -> memref<1x320x64xf32, #tpu.memory_space<vmem>>
        %dma_start3A_381 = tpu.memref_squeeze %dma_start3A_380 : memref<1x320x64xf32, #tpu.memory_space<vmem>> -> memref<320x64xf32, #tpu.memory_space<vmem>>
        %dma_start3A_382 = arith.constant 0 : i32
        %dma_start3A_383 = tpu.memref_slice %arg5[%dma_start3A_375, %dma_start3A_382] : memref<5x320xi32, #tpu.memory_space<vmem>> -> memref<1x320xi32, #tpu.memory_space<vmem>>
        %dma_start3A_384 = tpu.memref_squeeze %dma_start3A_383 : memref<1x320xi32, #tpu.memory_space<vmem>> -> memref<320xi32, #tpu.memory_space<vmem>>
        %dma_start3A_385 = arith.constant 0 : i32
        %dma_start3A_386 = arith.constant 0 : i32
        %dma_start3A_387 = tpu.memref_slice %arg3[%dma_start3A_385, %dma_start3A_386] : memref<1000000x64xf32, #tpu.memory_space<hbm>> -> memref<1000000x64xf32, #tpu.memory_space<hbm>>
        %dma_start3A_388 = tpu.memref_slice %arg7[%dma_start3A_377] : memref<5x!tpu.dma_semaphore, #tpu.memory_space<semaphore_mem>> -> memref<1x!tpu.dma_semaphore, #tpu.memory_space<semaphore_mem>>
        %dma_start3A_389 = tpu.memref_squeeze %dma_start3A_388 : memref<1x!tpu.dma_semaphore, #tpu.memory_space<semaphore_mem>> -> memref<!tpu.dma_semaphore, #tpu.memory_space<semaphore_mem>>
        tpu.enqueue_indirect_dma source(%dma_start3A_387 : memref<1000000x64xf32, #tpu.memory_space<hbm>>) target(%dma_start3A_381 : memref<320x64xf32, #tpu.memory_space<vmem>>) offsets(%dma_start3A_384 : memref<320xi32, #tpu.memory_space<vmem>>) semaphore(%dma_start3A_389 : memref<!tpu.dma_semaphore, #tpu.memory_space<semaphore_mem>>)
      } else {
      }
      %add3A_322 = arith.constant 4 : i32
      %add3A_323 = arith.addi %add3A_152, %add3A_322 : i32
      %dma_wait3A_324 = arith.constant 4 : i32
      %dma_wait3A_325 = arith.constant 4 : i32
      %dma_wait3A_326 = arith.constant 4 : i32
      %dma_wait3A_327 = arith.constant 0 : i32
      %dma_wait3A_328 = arith.constant 0 : i32
      %dma_wait3A_329 = tpu.memref_slice %arg6[%dma_wait3A_325, %dma_wait3A_327, %dma_wait3A_328] : memref<5x320x64xf32, #tpu.memory_space<vmem>> -> memref<1x320x64xf32, #tpu.memory_space<vmem>>
      %dma_wait3A_330 = tpu.memref_squeeze %dma_wait3A_329 : memref<1x320x64xf32, #tpu.memory_space<vmem>> -> memref<320x64xf32, #tpu.memory_space<vmem>>
      %dma_wait3A_331 = arith.constant 0 : i32
      %dma_wait3A_332 = tpu.memref_slice %arg5[%dma_wait3A_324, %dma_wait3A_331] : memref<5x320xi32, #tpu.memory_space<vmem>> -> memref<1x320xi32, #tpu.memory_space<vmem>>
      %dma_wait3A_333 = tpu.memref_squeeze %dma_wait3A_332 : memref<1x320xi32, #tpu.memory_space<vmem>> -> memref<320xi32, #tpu.memory_space<vmem>>
      %dma_wait3A_334 = arith.constant 0 : i32
      %dma_wait3A_335 = arith.constant 0 : i32
      %dma_wait3A_336 = tpu.memref_slice %arg3[%dma_wait3A_334, %dma_wait3A_335] : memref<1000000x64xf32, #tpu.memory_space<hbm>> -> memref<1000000x64xf32, #tpu.memory_space<hbm>>
      %dma_wait3A_337 = tpu.memref_slice %arg7[%dma_wait3A_326] : memref<5x!tpu.dma_semaphore, #tpu.memory_space<semaphore_mem>> -> memref<1x!tpu.dma_semaphore, #tpu.memory_space<semaphore_mem>>
      %dma_wait3A_338 = tpu.memref_squeeze %dma_wait3A_337 : memref<1x!tpu.dma_semaphore, #tpu.memory_space<semaphore_mem>> -> memref<!tpu.dma_semaphore, #tpu.memory_space<semaphore_mem>>
      tpu.wait_indirect_dma semaphore(%dma_wait3A_338 : memref<!tpu.dma_semaphore, #tpu.memory_space<semaphore_mem>>) src(%dma_wait3A_336 : memref<1000000x64xf32, #tpu.memory_space<hbm>>) dst(%dma_wait3A_330 : memref<320x64xf32, #tpu.memory_space<vmem>>)
      %mul3A_339 = arith.constant 320 : i32
      %mul3A_340 = arith.muli %add3A_323, %mul3A_339 : i32
      %add3A_341 = arith.addi %mul3A_2, %mul3A_340 : i32
      %dma_start3A_342 = arith.constant 4 : i32
      %dma_start3A_343 = arith.constant 4 : i32
      %dma_start3A_344 = arith.constant 0 : i32
      %dma_start3A_345 = arith.constant 0 : i32
      %dma_start3A_346 = tpu.memref_slice %arg6[%dma_start3A_342, %dma_start3A_344, %dma_start3A_345] : memref<5x320x64xf32, #tpu.memory_space<vmem>> -> memref<1x320x64xf32, #tpu.memory_space<vmem>>
      %dma_start3A_347 = tpu.memref_squeeze %dma_start3A_346 : memref<1x320x64xf32, #tpu.memory_space<vmem>> -> memref<320x64xf32, #tpu.memory_space<vmem>>
      %dma_start3A_348 = arith.constant 0 : i32
      %dma_start3A_349 = tpu.memref_slice %arg4[%add3A_341, %dma_start3A_348] : memref<819200x64xf32, #tpu.memory_space<hbm>> -> memref<320x64xf32, #tpu.memory_space<hbm>>
      %dma_start3A_350 = tpu.memref_slice %arg8[%dma_start3A_343] : memref<5x!tpu.dma_semaphore, #tpu.memory_space<semaphore_mem>> -> memref<1x!tpu.dma_semaphore, #tpu.memory_space<semaphore_mem>>
      %dma_start3A_351 = tpu.memref_squeeze %dma_start3A_350 : memref<1x!tpu.dma_semaphore, #tpu.memory_space<semaphore_mem>> -> memref<!tpu.dma_semaphore, #tpu.memory_space<semaphore_mem>>
      %dma_start3A_352 = arith.constant 0 : i32
      %dma_start3A_353 = tpu.memref_slice %arg4[%add3A_341, %dma_start3A_352] : memref<819200x64xf32, #tpu.memory_space<hbm>> -> memref<320x64xf32, #tpu.memory_space<hbm>>
      %dma_start3A_354 = arith.constant 0 : i32
      %dma_start3A_355 = arith.constant 0 : i32
      %dma_start3A_356 = tpu.memref_slice %arg6[%dma_start3A_342, %dma_start3A_354, %dma_start3A_355] : memref<5x320x64xf32, #tpu.memory_space<vmem>> -> memref<1x320x64xf32, #tpu.memory_space<vmem>>
      %dma_start3A_357 = tpu.memref_squeeze %dma_start3A_356 : memref<1x320x64xf32, #tpu.memory_space<vmem>> -> memref<320x64xf32, #tpu.memory_space<vmem>>
      tpu.enqueue_dma source(%dma_start3A_357 : memref<320x64xf32, #tpu.memory_space<vmem>>) target(%dma_start3A_353 : memref<320x64xf32, #tpu.memory_space<hbm>>) target_semaphore(%dma_start3A_351 : memref<!tpu.dma_semaphore, #tpu.memory_space<semaphore_mem>>)
      %add3A_358 = arith.constant 3 : i32
      %add3A_359 = arith.addi %add3A_323, %add3A_358 : i32
      %lt3A_360 = arith.constant 80 : i32
      %lt3A_361 = arith.cmpi slt, %add3A_359, %lt3A_360 : i32
      %convert_element_type3A_362 = arith.extui %lt3A_361 : i1 to i32
      %cond3A_363 = arith.constant 0 : i32
      %cond3A_364 = arith.cmpi ne, %convert_element_type3A_362, %cond3A_363 : i32
      scf.if %cond3A_364 {
        %ge3A = arith.constant 2 : i32
        %ge3A_365 = arith.cmpi sge, %add3A_323, %ge3A : i32
        %convert_element_type3A_366 = arith.extui %ge3A_365 : i1 to i32
        %cond3A_367 = arith.constant 0 : i32
        %cond3A_368 = arith.cmpi ne, %convert_element_type3A_366, %cond3A_367 : i32
        scf.if %cond3A_368 {
          %sub3A = arith.constant 2 : i32
          %sub3A_390 = arith.subi %add3A_323, %sub3A : i32
          %mul3A_391 = arith.constant 320 : i32
          %mul3A_392 = arith.muli %sub3A_390, %mul3A_391 : i32
          %add3A_393 = arith.addi %mul3A_2, %mul3A_392 : i32
          %dma_wait3A_394 = arith.constant 2 : i32
          %dma_wait3A_395 = arith.constant 2 : i32
          %dma_wait3A_396 = arith.constant 0 : i32
          %dma_wait3A_397 = arith.constant 0 : i32
          %dma_wait3A_398 = tpu.memref_slice %arg6[%dma_wait3A_394, %dma_wait3A_396, %dma_wait3A_397] : memref<5x320x64xf32, #tpu.memory_space<vmem>> -> memref<1x320x64xf32, #tpu.memory_space<vmem>>
          %dma_wait3A_399 = tpu.memref_squeeze %dma_wait3A_398 : memref<1x320x64xf32, #tpu.memory_space<vmem>> -> memref<320x64xf32, #tpu.memory_space<vmem>>
          %dma_wait3A_400 = arith.constant 0 : i32
          %dma_wait3A_401 = tpu.memref_slice %arg4[%add3A_393, %dma_wait3A_400] : memref<819200x64xf32, #tpu.memory_space<hbm>> -> memref<320x64xf32, #tpu.memory_space<hbm>>
          %dma_wait3A_402 = tpu.memref_slice %arg8[%dma_wait3A_395] : memref<5x!tpu.dma_semaphore, #tpu.memory_space<semaphore_mem>> -> memref<1x!tpu.dma_semaphore, #tpu.memory_space<semaphore_mem>>
          %dma_wait3A_403 = tpu.memref_squeeze %dma_wait3A_402 : memref<1x!tpu.dma_semaphore, #tpu.memory_space<semaphore_mem>> -> memref<!tpu.dma_semaphore, #tpu.memory_space<semaphore_mem>>
          %dma_wait3A_404 = arith.constant 0 : i32
          %dma_wait3A_405 = tpu.memref_slice %arg4[%add3A_393, %dma_wait3A_404] : memref<819200x64xf32, #tpu.memory_space<hbm>> -> memref<320x64xf32, #tpu.memory_space<hbm>>
          %dma_wait3A_406 = arith.constant 0 : i32
          %dma_wait3A_407 = arith.constant 0 : i32
          %dma_wait3A_408 = tpu.memref_slice %arg6[%dma_wait3A_394, %dma_wait3A_406, %dma_wait3A_407] : memref<5x320x64xf32, #tpu.memory_space<vmem>> -> memref<1x320x64xf32, #tpu.memory_space<vmem>>
          %dma_wait3A_409 = tpu.memref_squeeze %dma_wait3A_408 : memref<1x320x64xf32, #tpu.memory_space<vmem>> -> memref<320x64xf32, #tpu.memory_space<vmem>>
          tpu.wait_dma2 semaphore(%dma_wait3A_403 : memref<!tpu.dma_semaphore, #tpu.memory_space<semaphore_mem>>) src(%dma_wait3A_409 : memref<320x64xf32, #tpu.memory_space<vmem>>) dst(%dma_wait3A_405 : memref<320x64xf32, #tpu.memory_space<hbm>>)
        } else {
        }
        %add3A_369 = arith.constant 3 : i32
        %add3A_370 = arith.addi %add3A_323, %add3A_369 : i32
        %mul3A_371 = arith.constant 320 : i32
        %mul3A_372 = arith.muli %add3A_370, %mul3A_371 : i32
        %add3A_373 = arith.addi %mul3A_2, %mul3A_372 : i32
        %run_scoped3A_374 = arith.constant 2 : i32
        "tpu.region"() ({
          %run_scoped3A_390 = tpu.sem_alloc : memref<!tpu.dma_semaphore, #tpu.memory_space<semaphore_mem>>
          %dma_start3A_391 = arith.constant 0 : i32
          %dma_start3A_392 = tpu.memref_slice %arg5[%run_scoped3A_374, %dma_start3A_391] : memref<5x320xi32, #tpu.memory_space<vmem>> -> memref<1x320xi32, #tpu.memory_space<vmem>>
          %dma_start3A_393 = tpu.memref_squeeze %dma_start3A_392 : memref<1x320xi32, #tpu.memory_space<vmem>> -> memref<320xi32, #tpu.memory_space<vmem>>
          %dma_start3A_394 = tpu.memref_slice %arg2[%add3A_373] : memref<819200xi32, #tpu.memory_space<hbm>> -> memref<320xi32, #tpu.memory_space<hbm>>
          %dma_start3A_395 = arith.constant 0 : i32
          %dma_start3A_396 = tpu.memref_slice %arg5[%run_scoped3A_374, %dma_start3A_395] : memref<5x320xi32, #tpu.memory_space<vmem>> -> memref<1x320xi32, #tpu.memory_space<vmem>>
          %dma_start3A_397 = tpu.memref_squeeze %dma_start3A_396 : memref<1x320xi32, #tpu.memory_space<vmem>> -> memref<320xi32, #tpu.memory_space<vmem>>
          %dma_start3A_398 = tpu.memref_slice %arg2[%add3A_373] : memref<819200xi32, #tpu.memory_space<hbm>> -> memref<320xi32, #tpu.memory_space<hbm>>
          tpu.enqueue_dma source(%dma_start3A_398 : memref<320xi32, #tpu.memory_space<hbm>>) target(%dma_start3A_397 : memref<320xi32, #tpu.memory_space<vmem>>) target_semaphore(%run_scoped3A_390 : memref<!tpu.dma_semaphore, #tpu.memory_space<semaphore_mem>>)
          %dma_wait3A_399 = arith.constant 0 : i32
          %dma_wait3A_400 = tpu.memref_slice %arg5[%run_scoped3A_374, %dma_wait3A_399] : memref<5x320xi32, #tpu.memory_space<vmem>> -> memref<1x320xi32, #tpu.memory_space<vmem>>
          %dma_wait3A_401 = tpu.memref_squeeze %dma_wait3A_400 : memref<1x320xi32, #tpu.memory_space<vmem>> -> memref<320xi32, #tpu.memory_space<vmem>>
          %dma_wait3A_402 = tpu.memref_slice %arg2[%add3A_373] : memref<819200xi32, #tpu.memory_space<hbm>> -> memref<320xi32, #tpu.memory_space<hbm>>
          %dma_wait3A_403 = arith.constant 0 : i32
          %dma_wait3A_404 = tpu.memref_slice %arg5[%run_scoped3A_374, %dma_wait3A_403] : memref<5x320xi32, #tpu.memory_space<vmem>> -> memref<1x320xi32, #tpu.memory_space<vmem>>
          %dma_wait3A_405 = tpu.memref_squeeze %dma_wait3A_404 : memref<1x320xi32, #tpu.memory_space<vmem>> -> memref<320xi32, #tpu.memory_space<vmem>>
          %dma_wait3A_406 = tpu.memref_slice %arg2[%add3A_373] : memref<819200xi32, #tpu.memory_space<hbm>> -> memref<320xi32, #tpu.memory_space<hbm>>
          tpu.wait_dma2 semaphore(%run_scoped3A_390 : memref<!tpu.dma_semaphore, #tpu.memory_space<semaphore_mem>>) src(%dma_wait3A_406 : memref<320xi32, #tpu.memory_space<hbm>>) dst(%dma_wait3A_405 : memref<320xi32, #tpu.memory_space<vmem>>)
          tpu.yield
        }) : () -> ()
        %dma_start3A_375 = arith.constant 2 : i32
        %dma_start3A_376 = arith.constant 2 : i32
        %dma_start3A_377 = arith.constant 2 : i32
        %dma_start3A_378 = arith.constant 0 : i32
        %dma_start3A_379 = arith.constant 0 : i32
        %dma_start3A_380 = tpu.memref_slice %arg6[%dma_start3A_376, %dma_start3A_378, %dma_start3A_379] : memref<5x320x64xf32, #tpu.memory_space<vmem>> -> memref<1x320x64xf32, #tpu.memory_space<vmem>>
        %dma_start3A_381 = tpu.memref_squeeze %dma_start3A_380 : memref<1x320x64xf32, #tpu.memory_space<vmem>> -> memref<320x64xf32, #tpu.memory_space<vmem>>
        %dma_start3A_382 = arith.constant 0 : i32
        %dma_start3A_383 = tpu.memref_slice %arg5[%dma_start3A_375, %dma_start3A_382] : memref<5x320xi32, #tpu.memory_space<vmem>> -> memref<1x320xi32, #tpu.memory_space<vmem>>
        %dma_start3A_384 = tpu.memref_squeeze %dma_start3A_383 : memref<1x320xi32, #tpu.memory_space<vmem>> -> memref<320xi32, #tpu.memory_space<vmem>>
        %dma_start3A_385 = arith.constant 0 : i32
        %dma_start3A_386 = arith.constant 0 : i32
        %dma_start3A_387 = tpu.memref_slice %arg3[%dma_start3A_385, %dma_start3A_386] : memref<1000000x64xf32, #tpu.memory_space<hbm>> -> memref<1000000x64xf32, #tpu.memory_space<hbm>>
        %dma_start3A_388 = tpu.memref_slice %arg7[%dma_start3A_377] : memref<5x!tpu.dma_semaphore, #tpu.memory_space<semaphore_mem>> -> memref<1x!tpu.dma_semaphore, #tpu.memory_space<semaphore_mem>>
        %dma_start3A_389 = tpu.memref_squeeze %dma_start3A_388 : memref<1x!tpu.dma_semaphore, #tpu.memory_space<semaphore_mem>> -> memref<!tpu.dma_semaphore, #tpu.memory_space<semaphore_mem>>
        tpu.enqueue_indirect_dma source(%dma_start3A_387 : memref<1000000x64xf32, #tpu.memory_space<hbm>>) target(%dma_start3A_381 : memref<320x64xf32, #tpu.memory_space<vmem>>) offsets(%dma_start3A_384 : memref<320xi32, #tpu.memory_space<vmem>>) semaphore(%dma_start3A_389 : memref<!tpu.dma_semaphore, #tpu.memory_space<semaphore_mem>>)
      } else {
      }
    }
    %scan3A_58 = arith.constant 16 : i32
    %add3A_59 = arith.constant 24000 : i32
    %add3A_60 = arith.addi %mul3A_2, %add3A_59 : i32
    %dma_wait3A = arith.constant 0 : i32
    %dma_wait3A_61 = arith.constant 0 : i32
    %dma_wait3A_62 = arith.constant 0 : i32
    %dma_wait3A_63 = arith.constant 0 : i32
    %dma_wait3A_64 = tpu.memref_slice %arg6[%dma_wait3A, %dma_wait3A_62, %dma_wait3A_63] : memref<5x320x64xf32, #tpu.memory_space<vmem>> -> memref<1x320x64xf32, #tpu.memory_space<vmem>>
    %dma_wait3A_65 = tpu.memref_squeeze %dma_wait3A_64 : memref<1x320x64xf32, #tpu.memory_space<vmem>> -> memref<320x64xf32, #tpu.memory_space<vmem>>
    %dma_wait3A_66 = arith.constant 0 : i32
    %dma_wait3A_67 = tpu.memref_slice %arg4[%add3A_60, %dma_wait3A_66] : memref<819200x64xf32, #tpu.memory_space<hbm>> -> memref<320x64xf32, #tpu.memory_space<hbm>>
    %dma_wait3A_68 = tpu.memref_slice %arg8[%dma_wait3A_61] : memref<5x!tpu.dma_semaphore, #tpu.memory_space<semaphore_mem>> -> memref<1x!tpu.dma_semaphore, #tpu.memory_space<semaphore_mem>>
    %dma_wait3A_69 = tpu.memref_squeeze %dma_wait3A_68 : memref<1x!tpu.dma_semaphore, #tpu.memory_space<semaphore_mem>> -> memref<!tpu.dma_semaphore, #tpu.memory_space<semaphore_mem>>
    %dma_wait3A_70 = arith.constant 0 : i32
    %dma_wait3A_71 = tpu.memref_slice %arg4[%add3A_60, %dma_wait3A_70] : memref<819200x64xf32, #tpu.memory_space<hbm>> -> memref<320x64xf32, #tpu.memory_space<hbm>>
    %dma_wait3A_72 = arith.constant 0 : i32
    %dma_wait3A_73 = arith.constant 0 : i32
    %dma_wait3A_74 = tpu.memref_slice %arg6[%dma_wait3A, %dma_wait3A_72, %dma_wait3A_73] : memref<5x320x64xf32, #tpu.memory_space<vmem>> -> memref<1x320x64xf32, #tpu.memory_space<vmem>>
    %dma_wait3A_75 = tpu.memref_squeeze %dma_wait3A_74 : memref<1x320x64xf32, #tpu.memory_space<vmem>> -> memref<320x64xf32, #tpu.memory_space<vmem>>
    tpu.wait_dma2 semaphore(%dma_wait3A_69 : memref<!tpu.dma_semaphore, #tpu.memory_space<semaphore_mem>>) src(%dma_wait3A_75 : memref<320x64xf32, #tpu.memory_space<vmem>>) dst(%dma_wait3A_71 : memref<320x64xf32, #tpu.memory_space<hbm>>)
    %add3A_76 = arith.constant 24320 : i32
    %add3A_77 = arith.addi %mul3A_2, %add3A_76 : i32
    %dma_wait3A_78 = arith.constant 1 : i32
    %dma_wait3A_79 = arith.constant 1 : i32
    %dma_wait3A_80 = arith.constant 0 : i32
    %dma_wait3A_81 = arith.constant 0 : i32
    %dma_wait3A_82 = tpu.memref_slice %arg6[%dma_wait3A_78, %dma_wait3A_80, %dma_wait3A_81] : memref<5x320x64xf32, #tpu.memory_space<vmem>> -> memref<1x320x64xf32, #tpu.memory_space<vmem>>
    %dma_wait3A_83 = tpu.memref_squeeze %dma_wait3A_82 : memref<1x320x64xf32, #tpu.memory_space<vmem>> -> memref<320x64xf32, #tpu.memory_space<vmem>>
    %dma_wait3A_84 = arith.constant 0 : i32
    %dma_wait3A_85 = tpu.memref_slice %arg4[%add3A_77, %dma_wait3A_84] : memref<819200x64xf32, #tpu.memory_space<hbm>> -> memref<320x64xf32, #tpu.memory_space<hbm>>
    %dma_wait3A_86 = tpu.memref_slice %arg8[%dma_wait3A_79] : memref<5x!tpu.dma_semaphore, #tpu.memory_space<semaphore_mem>> -> memref<1x!tpu.dma_semaphore, #tpu.memory_space<semaphore_mem>>
    %dma_wait3A_87 = tpu.memref_squeeze %dma_wait3A_86 : memref<1x!tpu.dma_semaphore, #tpu.memory_space<semaphore_mem>> -> memref<!tpu.dma_semaphore, #tpu.memory_space<semaphore_mem>>
    %dma_wait3A_88 = arith.constant 0 : i32
    %dma_wait3A_89 = tpu.memref_slice %arg4[%add3A_77, %dma_wait3A_88] : memref<819200x64xf32, #tpu.memory_space<hbm>> -> memref<320x64xf32, #tpu.memory_space<hbm>>
    %dma_wait3A_90 = arith.constant 0 : i32
    %dma_wait3A_91 = arith.constant 0 : i32
    %dma_wait3A_92 = tpu.memref_slice %arg6[%dma_wait3A_78, %dma_wait3A_90, %dma_wait3A_91] : memref<5x320x64xf32, #tpu.memory_space<vmem>> -> memref<1x320x64xf32, #tpu.memory_space<vmem>>
    %dma_wait3A_93 = tpu.memref_squeeze %dma_wait3A_92 : memref<1x320x64xf32, #tpu.memory_space<vmem>> -> memref<320x64xf32, #tpu.memory_space<vmem>>
    tpu.wait_dma2 semaphore(%dma_wait3A_87 : memref<!tpu.dma_semaphore, #tpu.memory_space<semaphore_mem>>) src(%dma_wait3A_93 : memref<320x64xf32, #tpu.memory_space<vmem>>) dst(%dma_wait3A_89 : memref<320x64xf32, #tpu.memory_space<hbm>>)
    %add3A_94 = arith.constant 24640 : i32
    %add3A_95 = arith.addi %mul3A_2, %add3A_94 : i32
    %dma_wait3A_96 = arith.constant 2 : i32
    %dma_wait3A_97 = arith.constant 2 : i32
    %dma_wait3A_98 = arith.constant 0 : i32
    %dma_wait3A_99 = arith.constant 0 : i32
    %dma_wait3A_100 = tpu.memref_slice %arg6[%dma_wait3A_96, %dma_wait3A_98, %dma_wait3A_99] : memref<5x320x64xf32, #tpu.memory_space<vmem>> -> memref<1x320x64xf32, #tpu.memory_space<vmem>>
    %dma_wait3A_101 = tpu.memref_squeeze %dma_wait3A_100 : memref<1x320x64xf32, #tpu.memory_space<vmem>> -> memref<320x64xf32, #tpu.memory_space<vmem>>
    %dma_wait3A_102 = arith.constant 0 : i32
    %dma_wait3A_103 = tpu.memref_slice %arg4[%add3A_95, %dma_wait3A_102] : memref<819200x64xf32, #tpu.memory_space<hbm>> -> memref<320x64xf32, #tpu.memory_space<hbm>>
    %dma_wait3A_104 = tpu.memref_slice %arg8[%dma_wait3A_97] : memref<5x!tpu.dma_semaphore, #tpu.memory_space<semaphore_mem>> -> memref<1x!tpu.dma_semaphore, #tpu.memory_space<semaphore_mem>>
    %dma_wait3A_105 = tpu.memref_squeeze %dma_wait3A_104 : memref<1x!tpu.dma_semaphore, #tpu.memory_space<semaphore_mem>> -> memref<!tpu.dma_semaphore, #tpu.memory_space<semaphore_mem>>
    %dma_wait3A_106 = arith.constant 0 : i32
    %dma_wait3A_107 = tpu.memref_slice %arg4[%add3A_95, %dma_wait3A_106] : memref<819200x64xf32, #tpu.memory_space<hbm>> -> memref<320x64xf32, #tpu.memory_space<hbm>>
    %dma_wait3A_108 = arith.constant 0 : i32
    %dma_wait3A_109 = arith.constant 0 : i32
    %dma_wait3A_110 = tpu.memref_slice %arg6[%dma_wait3A_96, %dma_wait3A_108, %dma_wait3A_109] : memref<5x320x64xf32, #tpu.memory_space<vmem>> -> memref<1x320x64xf32, #tpu.memory_space<vmem>>
    %dma_wait3A_111 = tpu.memref_squeeze %dma_wait3A_110 : memref<1x320x64xf32, #tpu.memory_space<vmem>> -> memref<320x64xf32, #tpu.memory_space<vmem>>
    tpu.wait_dma2 semaphore(%dma_wait3A_105 : memref<!tpu.dma_semaphore, #tpu.memory_space<semaphore_mem>>) src(%dma_wait3A_111 : memref<320x64xf32, #tpu.memory_space<vmem>>) dst(%dma_wait3A_107 : memref<320x64xf32, #tpu.memory_space<hbm>>)
    %add3A_112 = arith.constant 24960 : i32
    %add3A_113 = arith.addi %mul3A_2, %add3A_112 : i32
    %dma_wait3A_114 = arith.constant 3 : i32
    %dma_wait3A_115 = arith.constant 3 : i32
    %dma_wait3A_116 = arith.constant 0 : i32
    %dma_wait3A_117 = arith.constant 0 : i32
    %dma_wait3A_118 = tpu.memref_slice %arg6[%dma_wait3A_114, %dma_wait3A_116, %dma_wait3A_117] : memref<5x320x64xf32, #tpu.memory_space<vmem>> -> memref<1x320x64xf32, #tpu.memory_space<vmem>>
    %dma_wait3A_119 = tpu.memref_squeeze %dma_wait3A_118 : memref<1x320x64xf32, #tpu.memory_space<vmem>> -> memref<320x64xf32, #tpu.memory_space<vmem>>
    %dma_wait3A_120 = arith.constant 0 : i32
    %dma_wait3A_121 = tpu.memref_slice %arg4[%add3A_113, %dma_wait3A_120] : memref<819200x64xf32, #tpu.memory_space<hbm>> -> memref<320x64xf32, #tpu.memory_space<hbm>>
    %dma_wait3A_122 = tpu.memref_slice %arg8[%dma_wait3A_115] : memref<5x!tpu.dma_semaphore, #tpu.memory_space<semaphore_mem>> -> memref<1x!tpu.dma_semaphore, #tpu.memory_space<semaphore_mem>>
    %dma_wait3A_123 = tpu.memref_squeeze %dma_wait3A_122 : memref<1x!tpu.dma_semaphore, #tpu.memory_space<semaphore_mem>> -> memref<!tpu.dma_semaphore, #tpu.memory_space<semaphore_mem>>
    %dma_wait3A_124 = arith.constant 0 : i32
    %dma_wait3A_125 = tpu.memref_slice %arg4[%add3A_113, %dma_wait3A_124] : memref<819200x64xf32, #tpu.memory_space<hbm>> -> memref<320x64xf32, #tpu.memory_space<hbm>>
    %dma_wait3A_126 = arith.constant 0 : i32
    %dma_wait3A_127 = arith.constant 0 : i32
    %dma_wait3A_128 = tpu.memref_slice %arg6[%dma_wait3A_114, %dma_wait3A_126, %dma_wait3A_127] : memref<5x320x64xf32, #tpu.memory_space<vmem>> -> memref<1x320x64xf32, #tpu.memory_space<vmem>>
    %dma_wait3A_129 = tpu.memref_squeeze %dma_wait3A_128 : memref<1x320x64xf32, #tpu.memory_space<vmem>> -> memref<320x64xf32, #tpu.memory_space<vmem>>
    tpu.wait_dma2 semaphore(%dma_wait3A_123 : memref<!tpu.dma_semaphore, #tpu.memory_space<semaphore_mem>>) src(%dma_wait3A_129 : memref<320x64xf32, #tpu.memory_space<vmem>>) dst(%dma_wait3A_125 : memref<320x64xf32, #tpu.memory_space<hbm>>)
    %add3A_130 = arith.constant 25280 : i32
    %add3A_131 = arith.addi %mul3A_2, %add3A_130 : i32
    %dma_wait3A_132 = arith.constant 4 : i32
    %dma_wait3A_133 = arith.constant 4 : i32
    %dma_wait3A_134 = arith.constant 0 : i32
    %dma_wait3A_135 = arith.constant 0 : i32
    %dma_wait3A_136 = tpu.memref_slice %arg6[%dma_wait3A_132, %dma_wait3A_134, %dma_wait3A_135] : memref<5x320x64xf32, #tpu.memory_space<vmem>> -> memref<1x320x64xf32, #tpu.memory_space<vmem>>
    %dma_wait3A_137 = tpu.memref_squeeze %dma_wait3A_136 : memref<1x320x64xf32, #tpu.memory_space<vmem>> -> memref<320x64xf32, #tpu.memory_space<vmem>>
    %dma_wait3A_138 = arith.constant 0 : i32
    %dma_wait3A_139 = tpu.memref_slice %arg4[%add3A_131, %dma_wait3A_138] : memref<819200x64xf32, #tpu.memory_space<hbm>> -> memref<320x64xf32, #tpu.memory_space<hbm>>
    %dma_wait3A_140 = tpu.memref_slice %arg8[%dma_wait3A_133] : memref<5x!tpu.dma_semaphore, #tpu.memory_space<semaphore_mem>> -> memref<1x!tpu.dma_semaphore, #tpu.memory_space<semaphore_mem>>
    %dma_wait3A_141 = tpu.memref_squeeze %dma_wait3A_140 : memref<1x!tpu.dma_semaphore, #tpu.memory_space<semaphore_mem>> -> memref<!tpu.dma_semaphore, #tpu.memory_space<semaphore_mem>>
    %dma_wait3A_142 = arith.constant 0 : i32
    %dma_wait3A_143 = tpu.memref_slice %arg4[%add3A_131, %dma_wait3A_142] : memref<819200x64xf32, #tpu.memory_space<hbm>> -> memref<320x64xf32, #tpu.memory_space<hbm>>
    %dma_wait3A_144 = arith.constant 0 : i32
    %dma_wait3A_145 = arith.constant 0 : i32
    %dma_wait3A_146 = tpu.memref_slice %arg6[%dma_wait3A_132, %dma_wait3A_144, %dma_wait3A_145] : memref<5x320x64xf32, #tpu.memory_space<vmem>> -> memref<1x320x64xf32, #tpu.memory_space<vmem>>
    %dma_wait3A_147 = tpu.memref_squeeze %dma_wait3A_146 : memref<1x320x64xf32, #tpu.memory_space<vmem>> -> memref<320x64xf32, #tpu.memory_space<vmem>>
    tpu.wait_dma2 semaphore(%dma_wait3A_141 : memref<!tpu.dma_semaphore, #tpu.memory_space<semaphore_mem>>) src(%dma_wait3A_147 : memref<320x64xf32, #tpu.memory_space<vmem>>) dst(%dma_wait3A_143 : memref<320x64xf32, #tpu.memory_space<hbm>>)
    return
  }
}

</mosaic_0001>

<sc_bundles>
// kernel: kernel.3.cloned.1.call-start
scs
__scs_entry_jumppad:
0x0: {  	(pc) =	sbr.rel $0x88, $3  }
0x1: {  	(tag) =	ssettag $0x0;
	lr =	simm.s32 $0x1  }
0x2: {  	[smem:$0x3F9F] =	sst lr;
	_ =	strace $0xD0000000  }
0x3: {  	_ = 	snop  }
0x4: {  	_ = 	snop  }
0x5: {  	_ = 	snop  }
0x6: {  	_ = 	snop  }
0x7: {  	_ = 	snop  }
__scs_overlays_trampoline_lowered:
0x8: {  	[smem:$0x3FAE] =	sst s0  }
0x9: {  	[smem:$0x3FAF] =	sst s1  }
0xa: {  	[smem:$0x3FB0] =	sst s2  }
0xb: {  	[smem:$0x3FB1] =	sst s3  }
0xc: {  	[smem:$0x3FB2] =	sst s4  }
0xd: {  	[smem:$0x3FB3] =	sst s5  }
0xe: {  	[smem:$0x3FB4] =	sst s6  }
0xf: {  	[smem:$0x3FB5] =	sst s7  }
0x10: {  	[smem:$0x3FB6] =	sst s8  }
0x11: {  	[smem:$0x3FB7] =	sst s9;
	s0 =	simm.s32 @!p0 $0x0  }
0x12: {  	s1 =	sld [smem:$0x3F9D];
	s0 =	simm.s32 @p0 $0x1  }
0x13: {  	[smem:$0x3FB8] =	sst s0;
	s0 =	simm.s32 @!p1 $0x0  }
0x14: {  	s2 =	sld [smem:$0x3F9C];
	s0 =	simm.s32 @p1 $0x1  }
0x15: {  	[smem:$0x3FB9] =	sst s0;
	s0 =	simm.s32 @!p2 $0x0  }
0x16: {  	s3 =	sld [smem:$0x3FDB];
	s0 =	simm.s32 @p2 $0x1  }
0x17: {  	s4 =	simm.s32 $0x1BF5;
	[smem:$0x3FBB] =	sst s0  }
0x18: {  	s0 =	sld [smem:$0x3F9E];
	_ =	swait.ge [sflag:s4], $0x0  }
0x19: {  	s7 =	sld [smem:$0x3F9F]  }
0x1a: {  	s8 =	sadd.s32 $0xFFFFE003, lr  }
0x1b: {  	s9 =	sadd.s32 $0xFFFFFEF7, lr;
	s5 =	simm.s32 $0xFFFFFFFF;
	p2 =	slt.u32 s8, $0xFFFFF086  }
0x1c: {  	p1 =	slt.u32 s9, $0xF7A;
	s5 =	simm.s32 @!p2 $0x0  }
0x1d: {  	s5 =	simm.s32 @p1 $0x1;
	p0 =	seq.s32 s7, s2  }
0x1e: {  	s7 =	smul.u32 @!p0 $0xF7A, s2;
	p2 =	seq.s32 @!p0 s5, $0x0  }
0x1f: {  	s9 =	smul.u32 $0xF7A, s1;
	s8 =	simm.s32 @!p0 $0x1BF5;
	p2 =	por !p2, p0  }
0x20: {  	[sflag:s8] =	ssyncset.s32 @!p0 $0xFFFFF086;
	s6 =	sadd.s32 @!p0 s3, s7;
	s7 =	simm.s32 @!p0 $0x108  }
0x21: {  	s3 =	sadd.s32 s3, s9;
	s6 =	sadd.s32 @!p0 $0x88, s6;
	s7 =	simm.s32 @p2 $0x1082  }
0x22: {  	[simem:s7], [sflag:s8] =	dma.local @!p0 [hbm:s6], $0xF7A  }
0x23: {  	s9 =	sor.u32 $0xD0000000, s2;
	s6 =	simm.s32 $0x108;
	_ =	swait.ge @!p0 [sflag:s8], $0x0  }
0x24: {  	s3 =	sadd.s32 $0x88, s3;
	s6 =	simm.s32 @!p1 $0x1082;
	[sflag:s4] =	ssyncset.s32 $0xFFFFF086  }
0x25: {  	[simem:s6], [sflag:s4] =	dma.local [hbm:s3], $0xF7A  }
0x26: {  	[smem:$0x3F9F] =	sst s1;
	(tag) =	ssettag s2;
	_ =	strace s9  }
0x27: {  	s1 =	sld [smem:$0x3FAF]  }
0x28: {  	s2 =	sld [smem:$0x3FB0]  }
0x29: {  	s4 =	sld [smem:$0x3FB2]  }
0x2a: {  	p0 =	seq.s32 s5, $0x0;
	s5 =	sld [smem:$0x3FB3]  }
0x2b: {  	s6 =	sld [smem:$0x3FB4]  }
0x2c: {  	s7 =	sld [smem:$0x3FB5]  }
0x2d: {  	s3 =	simm.s32 $0x108;
	s8 =	sld [smem:$0x3FB6]  }
0x2e: {  	s3 =	simm.s32 @!p0 $0x1082;
	s9 =	sld [smem:$0x3FB7]  }
0x2f: {  	lr =	sadd.s32 s0, s3;
	s0 =	sld [smem:$0x3FAE]  }
0x30: {  	s3 =	sld [smem:$0x3FB1]  }
0x31: {  	[smem:$0x3FBA] =	sst s10  }
0x32: {  	s10 =	sld [smem:$0x3FB8];
	_ =	sdelay $0x3  }
0x33: {  	p0 =	seq.s32 s10, $0x1;
	s10 =	sld [smem:$0x3FBA];
	_ =	sdelay $0x3  }
0x34: {  	[smem:$0x3FBA] =	sst s10  }
0x35: {  	s10 =	sld [smem:$0x3FB9];
	_ =	sdelay $0x3  }
0x36: {  	p1 =	seq.s32 s10, $0x1;
	s10 =	sld [smem:$0x3FBA];
	_ =	sdelay $0x3  }
0x37: {  	[smem:$0x3FBA] =	sst s10  }
0x38: {  	s10 =	sld [smem:$0x3FBB]  }
0x39: {  	_ = 	snop;
	(pc) =	sbr.ind lr, $3  }
0x3a: {  	_ = 	snop  }
0x3b: {  	_ = 	snop  }
0x3c: {  	p2 =	seq.s32 s10, $0x1;
	s10 =	sld [smem:$0x3FBA]  }
0x3d: {  	_ =	shalt  }
0x3e: {  	_ =	shalt  }
0x3f: {  	_ =	shalt  }
0x40: {  	_ =	shalt  }
0x41: {  	_ =	shalt  }
0x42: {  	_ =	shalt  }
0x43: {  	_ =	shalt  }
0x44: {  	_ =	shalt  }
0x45: {  	_ =	shalt  }
0x46: {  	_ =	shalt  }
0x47: {  	_ =	shalt  }
0x48: {  	_ =	shalt  }
0x49: {  	_ =	shalt  }
0x4a: {  	_ =	shalt  }
0x4b: {  	_ =	shalt  }
0x4c: {  	_ =	shalt  }
0x4d: {  	_ =	shalt  }
0x4e: {  	_ =	shalt  }
0x4f: {  	_ =	shalt  }
0x50: {  	_ =	shalt  }
0x51: {  	_ =	shalt  }
0x52: {  	_ =	shalt  }
0x53: {  	_ =	shalt  }
0x54: {  	_ =	shalt  }
0x55: {  	_ =	shalt  }
0x56: {  	_ =	shalt  }
0x57: {  	_ =	shalt  }
0x58: {  	_ =	shalt  }
0x59: {  	_ =	shalt  }
0x5a: {  	_ =	shalt  }
0x5b: {  	_ =	shalt  }
0x5c: {  	_ =	shalt  }
0x5d: {  	_ =	shalt  }
0x5e: {  	_ =	shalt  }
0x5f: {  	_ =	shalt  }
0x60: {  	_ =	shalt  }
0x61: {  	_ =	shalt  }
0x62: {  	_ =	shalt  }
0x63: {  	_ =	shalt  }
0x64: {  	_ =	shalt  }
0x65: {  	_ =	shalt  }
0x66: {  	_ =	shalt  }
0x67: {  	_ =	shalt  }
0x68: {  	_ =	shalt  }
0x69: {  	_ =	shalt  }
0x6a: {  	_ =	shalt  }
0x6b: {  	_ =	shalt  }
0x6c: {  	_ =	shalt  }
0x6d: {  	_ =	shalt  }
0x6e: {  	_ =	shalt  }
0x6f: {  	_ =	shalt  }
0x70: {  	_ =	shalt  }
0x71: {  	_ =	shalt  }
0x72: {  	_ =	shalt  }
0x73: {  	_ =	shalt  }
0x74: {  	_ =	shalt  }
0x75: {  	_ =	shalt  }
0x76: {  	_ =	shalt  }
0x77: {  	_ =	shalt  }
0x78: {  	_ =	shalt  }
0x79: {  	_ =	shalt  }
0x7a: {  	_ =	shalt  }
0x7b: {  	_ =	shalt  }
0x7c: {  	_ =	shalt  }
0x7d: {  	_ =	shalt  }
0x7e: {  	_ =	shalt  }
0x7f: {  	_ =	shalt  }
0x80: {  	_ =	shalt  }
0x81: {  	_ =	shalt  }
0x82: {  	_ =	shalt  }
0x83: {  	_ =	shalt  }
0x84: {  	_ =	shalt  }
0x85: {  	_ =	shalt  }
0x86: {  	_ =	shalt  }
0x87: {  	_ =	shalt  }
.Lfunc_end0:
.L_simem_size_0:
called_computation.1_lowered:
.L_overlay_start_0:
0x88: {  	s2 =	sld [smem:$0x3FD9]  }
0x89: {  	s3 =	sld [smem:$0x3FFE];
	_ =	sdelay $0x1  }
0x8a: {  	s1 =	srdreg.scid  }
0x8b: {  	s0 =	sand.u32 $0x1, s1  }
0x8c: {  	s17 =	sshll.u32 s0, $0xA;
	s2 =	sadd.s32 s3, s2  }
0x8d: {  	s2 =	sadd.s32 s2, s17  }
0x8e: {  	[smem:$0x3FC6] =	sst s2  }
0x8f: {  	_ = 	snop  }
0x90: {  	s2 =	sld [smem:$0x3FD0];
	(tm) =	ssettm $0x1  }
0x91: {  	s18 =	sld [smem:$0x3FFB];
	_ =	sdelay $0x3  }
0x92: {  	_ =	strace s18  }
0x93: {  	s3 =	sld [smem:$0x3FFC];
	_ =	sdelay $0x3  }
0x94: {  	_ =	strace s3  }
0x95: {  	s3 =	sld [smem:$0x3FFD];
	_ =	sdelay $0x3  }
0x96: {  	_ =	strace s3  }
0x97: {  	_ =	strace $0x8FFFFFFF  }
0x98: {  	s19 =	sld [smem:$0x3FDB];
	_ =	sdelay $0x1  }
0x99: {  	s4 =	simm.s32 $_scs_section_size  }
0x9a: {  	s5 =	simm.s32 $_size__tile_overlayer_lowered;
	s6 =	simm.s32 $_tile_overlayer_lowered  }
0x9b: {  	s22 =	simm.s32 $0x1BFF;
	s21 =	sshll.u32 s6, $0x1;
	s3 =	sadd.s32 s4, s19  }
0x9c: {  	s7 =	simm.s32 $0x0;
	s20 =	sshll.u32 s5, $0x1;
	s5 =	sadd.s32 s21, s3  }
0x9d: {  	[timem:s7], [sflag:s22] =	dma.local [hbm:s5], s20  }
0x9e: {  	_ =	swait.ge [sflag:s22], s20  }
0x9f: {  	s4 =	ssub.s32 $0x0, s20;
	[sflag:s22] =	ssyncset.done $0x0  }
0xa0: {  	[sflag:s22] =	ssyncadd.s32 s4;
	_ =	sdelay $0x1  }
0xa1: {  	s23 =	simm.s32 $0x1B8B  }
0xa2: {  	_ =	swait.ge [sflag:s23], $0x1  }
0xa3: {  	[sflag:s23] =	ssyncset.done $0x0  }
0xa4: {  	s25 =	simm.s32 $0x1B8E;
	s24 =	sld [smem:$0x3FFE];
	[sflag:s23] =	ssyncadd.s32 $0xFFFFFFFF  }
0xa5: {  	s26 =	simm.s32 $execute0_lowered;
	[smem:$0x3FD2] =	sst s25  }
0xa6: {  	s5 =	sshll.u32 s26, $0x1;
	_ =	strace $0x80000046;
	[dreg:$0x1] =	wrdreg $0xFFFFFFFF  }
0xa7: {  	s28 =	simm.s32 $_size_execute0_lowered;
	s3 =	sadd.s32 s3, s5;
	[dreg:$0x0] =	wrdreg $0x0  }
0xa8: {  	s5 =	sshll.u32 s28, $0x1;
	[dreg:$0x2] =	wrdreg s3  }
0xa9: {  	[dreg:$0x3] =	wrdreg s5  }
0xaa: {  	[dreg:$0x4] =	wrdreg $0xC0  }
0xab: {  	_ =	task [dreg:s7], $0x5FFFF  }
0xac: {  	[dreg:$0x1] =	wrdreg $0xFFFFFFFF  }
0xad: {  	[dreg:$0x0] =	wrdreg $0x60  }
0xae: {  	[dreg:$0x2] =	wrdreg s24  }
0xaf: {  	[dreg:$0x3] =	wrdreg s2  }
0xb0: {  	[dreg:$0x4] =	wrdreg $0x9  }
0xb1: {  	_ =	task.clear_ibuf [dreg:s7], $0x5FFFF;
	_ =	strace $0x90000046  }
0xb2: {  	s29 =	simm.s32 $0x9;
	_ =	strace $0x80000048  }
0xb3: {  	_ =	swait.ge [sflag:s29], $0x1  }
0xb4: {  	[sflag:s29] =	ssyncadd.s32 $0xFFFFFFFF  }
0xb5: {  	_ =	strace $0x90000048  }
0xb6: {  	_ =	sfence  }
0xb7: {  	s30 =	sld [smem:$0x0];
	_ =	sdelay $0x2  }
0xb8: {  	s31 =	sshll.u32 s1, $0xD;
	s1 =	sshrl.u32 s1, $0x2  }
0xb9: {  	s3 =	sand.u32 $0x4000, s31;
	s1 =	sadd.s32 s1, s30  }
0xba: {  	s0 =	sor.u32 s3, s0;
	s1 =	sshll.u32 s1, $0x11  }
0xbb: {  	s0 =	sor.u32 s1, s0  }
0xbc: {  	s0 =	sadd.s32 $0x8F2B, s0  }
0xbd: {  	[sflag:s0] =	ssyncadd.remote.s32 $0x1  }
0xbe: {  	_ =	sfence.sel $0xFFFF  }
0xbf: {  	[dreg:$0x0] =	wrdreg $0xFFFFFFFF;
	(pc) =	sbr.abs _section_cstart, $3  }
0xc0: {  	[dreg:$0x1] =	wrdreg $0xFFFFFFFF  }
0xc1: {  	_ =	task.clear_ibuf [dreg:s7], $0x2FFFF;
	_ =	strace $0x9FFFFFFF  }
0xc2: {  	(tm) =	ssettm $0x7FFFFFFF  }
0xc3: {  	_ =	shalt  }
tec
execute0_lowered:
.L_overlay_start_1:
0x0: {  	(tag) =	ssettag $0x1  }
0x1: {  	s0 =	rddreg [dreg:$0x0];
	s1 =	srdreg.scid  }
0x2: {  	s2 =	stileid.u32;
	s11 =	rddreg [dreg:$0x1];
	s3 =	simm.s32 $0x0  }
0x3: {  	s28 =	simm.s32 $0x1;
	s29 =	simm.s32 $0x3C0;
	s31 =	simm.s32 $0x2  }
0x4: {  	s1 =	sand.u32 $0x1, s1;
	s4 =	sshll.u32 s2, $0x1;
	s7 =	smul.u32 $0xC800, s2  }
0x5: {  	[smem:$0x7FF] =	sst s3;
	s5 =	sadd.s32 $0xF42E00, s0;
	s18 =	smul.u32 $0x64000, s2  }
0x6: {  	s4 =	sor.u32 s1, s4;
	s8 =	ssub.s32 $0x2, s1;
	s9 =	smul.u32 $0x6400, s1  }
0x7: {  	_ =	strace $0x80000047;
	s1 =	smul.u32 $0x32000, s1;
	s25 =	sshrl.u32 s8, $0x1  }
0x8: {  	s6 =	smul.u32 $0x6400, s4;
	s4 =	sadd.s32 $0xA00, s0;
	s0 =	ssub.s32 s8, s25  }
0x9: {  	s30 =	sadd.s32 s9, s7;
	s12 =	sadd.s32 s1, s18;
	s10 =	smov.u32 s4  }
0xa: {  	s8 =	simm.s32 $0x5;
	s6 =	sshrl.u32 s6, $0x3;
	s16 =	sadd.s32 $0x500, s30  }
0xb: {  	s0 =	smax.u32 s0, $0x1;
	s9 =	sor.u32 $0x3C0, s30;
	s22 =	sadd.s32 $0x8C0, s30  }
0xc: {  	s23 =	sadd.s32 $0x780, s30;
	s24 =	sshll.u32 s30, $0x3;
	s30 =	sadd.s32 $0x640, s30  }
0xd: {  	s26 =	sadd.s32 s4, s6;
	[dreg:$0x6] =	wrdreg s0;
	s17 =	sshll.u32 s16, $0x3  }
0xe: {  	s7 =	sshrl.u32 s16, $0x3;
	s20 =	sshll.u32 s9, $0x3;
	s21 =	sshrl.u32 s9, $0x3  }
0xf: {  	s1 =	sshrl.u32 s23, $0x3;
	[dreg:$0xc] =	wrdreg s30;
	s6 =	simm.s32 $0x0  }
0x10: {  	s14 =	sadd.s32 $0x28, s26;
	[dreg:$0x3] =	wrdreg s26;
	s15 =	sadd.s32 $0x50, s26  }
0x11: {  	s0 =	sadd.s32 s17, s11;
	s19 =	sadd.s32 s7, s4;
	s13 =	sadd.s32 s20, s11  }
0x12: {  	s25 =	sadd.s32 s1, s4;
	s26 =	sadd.s32 s24, s11;
	[dreg:$0x4] =	wrdreg s14  }
0x13: {  	s20 =	sadd.s32 s11, s12;
	s1 =	simm.s32 $0x500;
	[dreg:$0x5] =	wrdreg s15  }
0x14: {  	s7 =	simm.s32 $0x3;
	s11 =	simm.s32 $0x8;
	[dreg:$0x7] =	wrdreg s0  }
.Ltmp0:
0x15: {  	[dreg:$0x8] =	wrdreg s19;
	s0 =	sadd.s32 s21, s4;
	(pc) =	sbr.rel .LBB2_1-.Ltmp0, $4  }
0x16: {  	[dreg:$0xb] =	wrdreg s25;
	s18 =	sadd.s32 $0x1400, s26;
	s19 =	sadd.s32 $0xA00, s26  }
0x17: {  	s21 =	simm.s32 $0xB;
	[dreg:$0x9] =	wrdreg s0;
	s0 =	sshrl.u32 s22, $0x3  }
0x18: {  	s25 =	simm.s32 $0x280;
	s26 =	simm.s32 $0xA640;
	s0 =	sadd.s32 s0, s4  }
0x19: {  	s22 =	simm.s32 $0x140;
	[dreg:$0xa] =	wrdreg s0;
	s0 =	simm.s32 $0x14640  }
.LBB2_4:
0x1a: {  	s2 =	simm.s32 $0x6  }
0x1b: {  	_ =	swait.ge [sflag:s2], $0x5000  }
0x1c: {  	[sflag:s2] =	ssyncset.done $0x0  }
0x1d: {  	s23 =	simm.s32 $0x7;
	[sflag:s2] =	ssyncadd.s32 $0xFFFFB000  }
0x1e: {  	_ =	swait.ge [sflag:s23], $0x5000  }
0x1f: {  	[sflag:s23] =	ssyncset.done $0x0  }
0x20: {  	[sflag:s23] =	ssyncadd.s32 $0xFFFFB000  }
0x21: {  	_ =	swait.ge [sflag:s11], $0x5000  }
0x22: {  	[sflag:s11] =	ssyncset.done $0x0  }
0x23: {  	s24 =	simm.s32 $0x9;
	[sflag:s11] =	ssyncadd.s32 $0xFFFFB000  }
0x24: {  	_ =	swait.ge [sflag:s24], $0x5000  }
0x25: {  	[sflag:s24] =	ssyncset.done $0x0  }
0x26: {  	s4 =	simm.s32 $0xA;
	[sflag:s24] =	ssyncadd.s32 $0xFFFFB000  }
0x27: {  	_ =	swait.ge [sflag:s4], $0x5000  }
0x28: {  	s6 =	rddreg [dreg:$0xd]  }
0x29: {  	s30 =	rddreg [dreg:$0x6];
	s6 =	sadd.s32 $0x1, s6  }
0x2a: {  	p0 =	sne.s32 s6, s30  }
.Ltmp1:
0x2b: {  	_ = 	snop;
	(pc) =	sbr.rel @!p0 .LBB2_5-.Ltmp1, $3  }
0x2c: {  	_ =	sdelay $0x1  }
0x2d: {  	[sflag:s4] =	ssyncset.done $0x0  }
0x2e: {  	[sflag:s4] =	ssyncadd.s32 $0xFFFFB000  }
.LBB2_1:
0x2f: {  	[dreg:$0xd] =	wrdreg s6  }
0x30: {  	s2 =	rddreg [dreg:$0x3]  }
0x31: {  	[tilespmem:s3], [sflag:$0xB] =	stream.linear.gather [hbm4b:s2+s3], $0x140, $0x38;
	[tilespmem:$0x19640] =	vst v63  }
0x32: {  	_ =	swait.ge [sflag:s21], $0x140  }
0x33: {  	[sflag:s21] =	ssyncset.done $0x0  }
0x34: {  	s17 =	simm.s32 $0x640;
	[sflag:s21] =	ssyncadd.s32 $0xFFFFFEC0  }
0x35: {  	[tilespmem:s17], [sflag:$0x1] =	stream.indirect.gather [hbm4b:s5+s22], $0x40, s3, s22, $0xb8;
	[tilespmem:$0x19640] =	vst v63  }
0x36: {  	s23 =	rddreg [dreg:$0x4]  }
0x37: {  	[tilespmem:s22], [sflag:$0xB] =	stream.linear.gather [hbm4b:s23+s3], $0x140, $0x38;
	[tilespmem:$0x19640] =	vst v63  }
0x38: {  	_ =	swait.ge [sflag:s21], $0x140  }
0x39: {  	[sflag:s21] =	ssyncset.done $0x0  }
0x3a: {  	s24 =	simm.s32 $0x5640;
	[sflag:s21] =	ssyncadd.s32 $0xFFFFFEC0  }
0x3b: {  	[tilespmem:s24], [sflag:$0x2] =	stream.indirect.gather [hbm4b:s5+s22], $0x40, s22, s22, $0xb8;
	[tilespmem:$0x19640] =	vst v63  }
0x3c: {  	s30 =	rddreg [dreg:$0x5]  }
0x3d: {  	[tilespmem:s25], [sflag:$0xB] =	stream.linear.gather [hbm4b:s30+s3], $0x140, $0x38;
	[tilespmem:$0x19640] =	vst v63  }
0x3e: {  	_ =	swait.ge [sflag:s21], $0x140  }
0x3f: {  	s17 =	rddreg [dreg:$0xc]  }
0x40: {  	s9 =	rddreg [dreg:$0xb]  }
0x41: {  	s6 =	rddreg [dreg:$0xa]  }
0x42: {  	[sflag:s21] =	ssyncset.done $0x0;
	s14 =	rddreg [dreg:$0x9]  }
0x43: {  	s16 =	simm.s32 $0x0;
	s15 =	rddreg [dreg:$0x8];
	[sflag:s21] =	ssyncadd.s32 $0xFFFFFEC0  }
0x44: {  	[tilespmem:s26], [sflag:$0x3] =	stream.indirect.gather [hbm4b:s5+s22], $0x40, s25, s22, $0xb8;
	[tilespmem:$0x19640] =	vst v63  }
.LBB2_2:
0x45: {  	_ =	swait.ge [sflag:s28], $0x5000  }
0x46: {  	s2 =	sadd.s32 s16, s20;
	[sflag:s28] =	ssyncset.done $0x0  }
0x47: {  	s4 =	simm.s32 $0x640;
	p0 =	seq.s32 s16, $0x0;
	[sflag:s28] =	ssyncadd.s32 $0xFFFFB000  }
0x48: {  	[hbm4b:s2+s3] =	stream.linear.scatter [tilespmem:s4], [sflag:$0x6], $0x5000, $0x38;
	[tilespmem:$0x19640] =	vst v63  }
0x49: {  	s2 =	simm.s32 @!p0 $0x9  }
0x4a: {  	_ =	swait.ge @!p0 [sflag:s2], $0x5000  }
0x4b: {  	[sflag:s2] =	ssyncset.done @!p0 $0x0  }
0x4c: {  	[sflag:s2] =	ssyncadd.s32 @!p0 $0xFFFFB000  }
0x4d: {  	[tilespmem:s29], [sflag:$0xB] =	stream.linear.gather [hbm4b:s14+s3], $0x140, $0x38;
	[tilespmem:$0x19640] =	vst v63  }
0x4e: {  	_ =	swait.ge [sflag:s21], $0x140  }
0x4f: {  	[sflag:s21] =	ssyncset.done $0x0  }
0x50: {  	s30 =	simm.s32 $0xF640;
	[sflag:s21] =	ssyncadd.s32 $0xFFFFFEC0  }
0x51: {  	[tilespmem:s30], [sflag:$0x4] =	stream.indirect.gather [hbm4b:s5+s22], $0x40, s29, s22, $0xb8;
	[tilespmem:$0x19640] =	vst v63  }
0x52: {  	_ =	swait.ge [sflag:s31], $0x5000  }
0x53: {  	s23 =	simm.s32 $0x5640;
	[sflag:s31] =	ssyncset.done $0x0  }
0x54: {  	s4 =	sadd.s32 s16, s19;
	s2 =	simm.s32 @!p0 $0xA;
	[sflag:s31] =	ssyncadd.s32 $0xFFFFB000  }
0x55: {  	[hbm4b:s4+s3] =	stream.linear.scatter [tilespmem:s23], [sflag:$0x7], $0x5000, $0x38;
	[tilespmem:$0x19640] =	vst v63  }
0x56: {  	_ =	swait.ge @!p0 [sflag:s2], $0x5000  }
0x57: {  	[sflag:s2] =	ssyncset.done @!p0 $0x0  }
0x58: {  	[sflag:s2] =	ssyncadd.s32 @!p0 $0xFFFFB000  }
0x59: {  	[tilespmem:s1], [sflag:$0xB] =	stream.linear.gather [hbm4b:s15+s3], $0x140, $0x38;
	[tilespmem:$0x19640] =	vst v63  }
0x5a: {  	_ =	swait.ge [sflag:s21], $0x140  }
0x5b: {  	[sflag:s21] =	ssyncset.done $0x0  }
0x5c: {  	[sflag:s21] =	ssyncadd.s32 $0xFFFFFEC0  }
0x5d: {  	[tilespmem:s0], [sflag:$0x5] =	stream.indirect.gather [hbm4b:s5+s22], $0x40, s1, s22, $0xb8;
	[tilespmem:$0x19640] =	vst v63  }
0x5e: {  	_ =	swait.ge [sflag:s7], $0x5000  }
0x5f: {  	p0 =	seq.s32 s16, $0x2EE00;
	[sflag:s7] =	ssyncset.done $0x0  }
0x60: {  	s24 =	sadd.s32 s16, s18;
	s2 =	simm.s32 @p0 $0x4;
	[sflag:s7] =	ssyncadd.s32 $0xFFFFB000  }
0x61: {  	[hbm4b:s24+s3] =	stream.linear.scatter [tilespmem:s26], [sflag:$0x8], $0x5000, $0x38;
	[tilespmem:$0x19640] =	vst v63  }
0x62: {  	_ =	swait.ge @p0 [sflag:s2], $0x5000  }
0x63: {  	s23 =	sadd.s32 @p0 s16, s12;
	[sflag:s2] =	ssyncset.done @p0 $0x0  }
0x64: {  	s23 =	sadd.s32 @p0 $0x1E00, s23;
	[sflag:s2] =	ssyncadd.s32 @p0 $0xFFFFB000  }
0x65: {  	s2 =	sand.u32 @p0 $0x1FFFEC00, s23;
	s4 =	rddreg [dreg:$0x1]  }
0x66: {  	s30 =	simm.s32 @p0 $0xF640;
	s23 =	simm.s32 @p0 $0x0;
	s2 =	sadd.s32 @p0 s4, s2  }
0x67: {  	[hbm4b:s2+s23] =	stream.linear.scatter @p0 [tilespmem:s30], [sflag:$0x9], $0x5000, $0x38;
	[tilespmem:$0x19640] =	vst v63  }
0x68: {  	s2 =	simm.s32 @!p0 $0x6  }
0x69: {  	_ =	swait.ge @!p0 [sflag:s2], $0x5000  }
0x6a: {  	s23 =	sshrl.u32 @!p0 s17, $0x3;
	[sflag:s2] =	ssyncset.done @!p0 $0x0  }
0x6b: {  	[sflag:s2] =	ssyncadd.s32 @!p0 $0xFFFFB000;
	s2 =	sadd.s32 @!p0 s10, s23;
	s23 =	simm.s32 @!p0 $0x0  }
0x6c: {  	[tilespmem:s23], [sflag:$0xB] =	stream.linear.gather @!p0 [hbm4b:s2+s23], $0x140, $0x38;
	[tilespmem:$0x19640] =	vst v63  }
0x6d: {  	s2 =	simm.s32 @!p0 $0xB  }
0x6e: {  	_ =	swait.ge @!p0 [sflag:s2], $0x140  }
0x6f: {  	[sflag:s2] =	ssyncset.done @!p0 $0x0  }
0x70: {  	s24 =	simm.s32 @!p0 $0x640;
	s30 =	simm.s32 @!p0 $0x140;
	[sflag:s2] =	ssyncadd.s32 @!p0 $0xFFFFFEC0  }
0x71: {  	[tilespmem:s24], [sflag:$0x1] =	stream.indirect.gather @!p0 [hbm4b:s5+s30], $0x40, s23, s30, $0xb8;
	[tilespmem:$0x19640] =	vst v63  }
0x72: {  	s24 =	simm.s32 @!p0 $0x4  }
0x73: {  	_ =	swait.ge @!p0 [sflag:s24], $0x5000  }
0x74: {  	[sflag:s24] =	ssyncset.done @!p0 $0x0  }
0x75: {  	s4 =	simm.s32 @!p0 $0xF640;
	[sflag:s24] =	ssyncadd.s32 @!p0 $0xFFFFB000;
	s24 =	sadd.s32 @!p0 s16, s13  }
0x76: {  	[hbm4b:s24+s23] =	stream.linear.scatter @!p0 [tilespmem:s4], [sflag:$0x9], $0x5000, $0x38;
	[tilespmem:$0x19640] =	vst v63  }
0x77: {  	s4 =	simm.s32 @!p0 $0x7  }
0x78: {  	_ =	swait.ge @!p0 [sflag:s4], $0x5000  }
0x79: {  	[sflag:s4] =	ssyncset.done @!p0 $0x0  }
0x7a: {  	[sflag:s4] =	ssyncadd.s32 @!p0 $0xFFFFB000  }
0x7b: {  	[tilespmem:s30], [sflag:$0xB] =	stream.linear.gather @!p0 [hbm4b:s9+s23], $0x140, $0x38;
	[tilespmem:$0x19640] =	vst v63  }
0x7c: {  	_ =	swait.ge @!p0 [sflag:s2], $0x140  }
0x7d: {  	[sflag:s2] =	ssyncset.done @!p0 $0x0  }
0x7e: {  	[sflag:s2] =	ssyncadd.s32 @!p0 $0xFFFFFEC0;
	s2 =	simm.s32 @!p0 $0x5640  }
0x7f: {  	[tilespmem:s2], [sflag:$0x2] =	stream.indirect.gather @!p0 [hbm4b:s5+s30], $0x40, s30, s30, $0xb8;
	[tilespmem:$0x19640] =	vst v63  }
.Ltmp2:
0x80: {  	_ = 	snop;
	(pc) =	sbr.rel @p0 .LBB2_4-.Ltmp2, $4  }
0x81: {  	_ =	swait.ge [sflag:s8], $0x5000  }
0x82: {  	[sflag:s8] =	ssyncset.done $0x0;
	s30 =	rddreg [dreg:$0x7]  }
0x83: {  	[sflag:s8] =	ssyncadd.s32 $0xFFFFB000;
	s2 =	sadd.s32 s16, s30  }
0x84: {  	[hbm4b:s2+s3] =	stream.linear.scatter [tilespmem:s0], [sflag:$0xA], $0x5000, $0x38;
	[tilespmem:$0x19640] =	vst v63  }
0x85: {  	_ =	swait.ge [sflag:s11], $0x5000  }
0x86: {  	[sflag:s11] =	ssyncset.done $0x0  }
0x87: {  	[sflag:s11] =	ssyncadd.s32 $0xFFFFB000  }
0x88: {  	[tilespmem:s25], [sflag:$0xB] =	stream.linear.gather [hbm4b:s6+s3], $0x140, $0x38;
	[tilespmem:$0x19640] =	vst v63  }
.Ltmp3:
0x89: {  	_ = 	snop;
	(pc) =	sbr.rel .LBB2_2-.Ltmp3, $4  }
0x8a: {  	s16 =	sadd.s32 $0x3200, s16;
	s15 =	sadd.s32 $0xC8, s15;
	_ =	swait.ge [sflag:s21], $0x140  }
0x8b: {  	s14 =	sadd.s32 $0xC8, s14;
	s9 =	sadd.s32 $0xC8, s9;
	[sflag:s21] =	ssyncset.done $0x0  }
0x8c: {  	s17 =	sadd.s32 $0x640, s17;
	s6 =	sadd.s32 $0xC8, s6;
	[sflag:s21] =	ssyncadd.s32 $0xFFFFFEC0  }
0x8d: {  	[tilespmem:s26], [sflag:$0x3] =	stream.indirect.gather [hbm4b:s5+s22], $0x40, s25, s22, $0xb8;
	[tilespmem:$0x19640] =	vst v63  }
.LBB2_5:
0x8e: {  	_ =	sfence.sel $0x180000  }
0x8f: {  	[bflag:$0x0] =	sbarrier.arrive $0xFFFF  }
0x90: {  	_ =	strace $0x90000047  }
0x91: {  	s0 =	stileid.u32;
	[bflag:$0x2] =	sbarrier.arrive $0xFFFF  }
0x92: {  	p0 =	sne.s32 s0, $0x0;
	s0 =	rddreg [dreg:$0x2]  }
0x93: {  	s0 =	sadd.s32 @!p0 $0x100000, s0  }
0x94: {  	[sflag:s0] =	ssyncadd.tile.s32 @!p0 $0x1;
	_ =	shalt  }
.Lfunc_end2:
_tile_overlayer_lowered:
.L_overlay_start_2:
0x95: {  	(tag) =	ssettag $0x2  }
0x96: {  	s0 =	rddreg [dreg:$0x0];
	s2 =	stileid.u32  }
0x97: {  	s1 =	rddreg [dreg:$0x1];
	p0 =	sne.s32 s2, $0x0  }
0x98: {  	s3 =	rddreg [dreg:$0x2];
	[bflag:$0x3] =	sbarrier.arrive $0xFFFF;
	s2 =	simm.s32 @!p0 $0x1C0B  }
0x99: {  	[timem:s3], [sflag:s2] =	dma.local @!p0 [hbm:s0], s1  }
0x9a: {  	s0 =	simm.s32 @!p0 $0xB  }
0x9b: {  	_ =	swait.ge @!p0 [sflag:s0], s1  }
0x9c: {  	s1 =	ssub.s32 @!p0 $0x0, s1;
	[sflag:s0] =	ssyncset.done @!p0 $0x0  }
0x9d: {  	[sflag:s0] =	ssyncadd.s32 @!p0 s1  }
0x9e: {  	[bflag:$0x3] =	sbarrier.arrive $0xFFFF  }
0x9f: {  	_ =	shalt  }

// kernel: sparse-core-data-format-call.cloned.1.call-start
scs
called_computation_lowered:
.L_overlay_start_0:
0x0: {  	s2 =	sld [smem:$0x3FD9]  }
0x1: {  	s3 =	sld [smem:$0x3FFE];
	_ =	sdelay $0x1  }
0x2: {  	s1 =	srdreg.scid  }
0x3: {  	s0 =	sand.u32 $0x1, s1  }
0x4: {  	s18 =	sshll.u32 s0, $0xA;
	s2 =	sadd.s32 s3, s2  }
0x5: {  	s2 =	sadd.s32 s2, s18  }
0x6: {  	[smem:$0x3FC6] =	sst s2  }
0x7: {  	_ = 	snop  }
0x8: {  	s2 =	sld [smem:$0x3FD0];
	(tm) =	ssettm $0x1  }
0x9: {  	s19 =	sld [smem:$0x3FFB];
	_ =	sdelay $0x3  }
0xa: {  	_ =	strace s19  }
0xb: {  	s3 =	sld [smem:$0x3FFC];
	_ =	sdelay $0x3  }
0xc: {  	_ =	strace s3  }
0xd: {  	s3 =	sld [smem:$0x3FFD];
	_ =	sdelay $0x3  }
0xe: {  	_ =	strace s3  }
0xf: {  	_ =	strace $0x8FFFFFFF  }
0x10: {  	s20 =	sld [smem:$0x3FDB];
	_ =	sdelay $0x1  }
0x11: {  	s4 =	simm.s32 $_scs_section_size  }
0x12: {  	s5 =	simm.s32 $_size__tile_overlayer_lowered;
	s6 =	simm.s32 $_tile_overlayer_lowered  }
0x13: {  	s23 =	simm.s32 $0x1BFF;
	s22 =	sshll.u32 s6, $0x1;
	s3 =	sadd.s32 s4, s20  }
0x14: {  	s7 =	simm.s32 $0x0;
	s21 =	sshll.u32 s5, $0x1;
	s5 =	sadd.s32 s22, s3  }
0x15: {  	[timem:s7], [sflag:s23] =	dma.local [hbm:s5], s21  }
0x16: {  	_ =	swait.ge [sflag:s23], s21  }
0x17: {  	s4 =	ssub.s32 $0x0, s21;
	[sflag:s23] =	ssyncset.done $0x0  }
0x18: {  	[sflag:s23] =	ssyncadd.s32 s4;
	_ =	sdelay $0x1  }
0x19: {  	s24 =	simm.s32 $0x1B8B  }
0x1a: {  	_ =	swait.ge [sflag:s24], $0x1  }
0x1b: {  	[sflag:s24] =	ssyncset.done $0x0  }
0x1c: {  	s26 =	simm.s32 $0x1B8E;
	s25 =	sld [smem:$0x3FFE];
	[sflag:s24] =	ssyncadd.s32 $0xFFFFFFFF  }
0x1d: {  	s27 =	simm.s32 $execute0_lowered;
	[smem:$0x3FD2] =	sst s26  }
0x1e: {  	s5 =	sshll.u32 s27, $0x1;
	_ =	strace $0x80000049;
	[dreg:$0x1] =	wrdreg $0xFFFFFFFF  }
0x1f: {  	s28 =	simm.s32 $_size_execute0_lowered;
	s3 =	sadd.s32 s3, s5;
	[dreg:$0x0] =	wrdreg $0x0  }
0x20: {  	s5 =	sshll.u32 s28, $0x1;
	[dreg:$0x2] =	wrdreg s3  }
0x21: {  	[dreg:$0x3] =	wrdreg s5  }
0x22: {  	[dreg:$0x4] =	wrdreg $0xC0  }
0x23: {  	_ =	task [dreg:s7], $0x5FFFF  }
0x24: {  	[dreg:$0x1] =	wrdreg $0xFFFFFFFF  }
0x25: {  	[dreg:$0x0] =	wrdreg $0x60  }
0x26: {  	[dreg:$0x2] =	wrdreg s25  }
0x27: {  	[dreg:$0x3] =	wrdreg s2  }
0x28: {  	[dreg:$0x4] =	wrdreg $0x9  }
0x29: {  	_ =	task.clear_ibuf [dreg:s7], $0x5FFFF;
	_ =	strace $0x90000049  }
0x2a: {  	s29 =	simm.s32 $0x9;
	_ =	strace $0x8000004B  }
0x2b: {  	_ =	swait.ge [sflag:s29], $0x1  }
0x2c: {  	[sflag:s29] =	ssyncadd.s32 $0xFFFFFFFF  }
0x2d: {  	_ =	strace $0x9000004B  }
0x2e: {  	_ =	sfence  }
0x2f: {  	s30 =	sld [smem:$0x0];
	_ =	sdelay $0x2  }
0x30: {  	s31 =	sshll.u32 s1, $0xD;
	s1 =	sshrl.u32 s1, $0x2  }
0x31: {  	s3 =	sand.u32 $0x4000, s31;
	s1 =	sadd.s32 s1, s30  }
0x32: {  	s0 =	sor.u32 s3, s0;
	s1 =	sshll.u32 s1, $0x11  }
0x33: {  	s0 =	sor.u32 s1, s0  }
0x34: {  	s0 =	sadd.s32 $0x8F2B, s0  }
0x35: {  	[sflag:s0] =	ssyncadd.remote.s32 $0x1  }
0x36: {  	_ =	sfence.sel $0xFFFF  }
0x37: {  	[dreg:$0x0] =	wrdreg $0xFFFFFFFF;
	(pc) =	sbr.abs _section_cstart, $3  }
0x38: {  	[dreg:$0x1] =	wrdreg $0xFFFFFFFF  }
0x39: {  	_ =	task.clear_ibuf [dreg:s7], $0x2FFFF;
	_ =	strace $0x9FFFFFFF  }
0x3a: {  	(tm) =	ssettm $0x7FFFFFFF  }
0x3b: {  	_ =	shalt  }
tec
execute0_lowered:
.L_overlay_start_1:
0x0: {  	(tag) =	ssettag $0x1  }
0x1: {  	s0 =	srdreg.scid  }
0x2: {  	s1 =	sshll.u32 s0, $0x4  }
0x3: {  	s0 =	stileid.u32;
	s1 =	sand.u32 $0x10, s1  }
0x4: {  	s1 =	sor.u32 s0, s1  }
0x5: {  	s6 =	rddreg [dreg:$0x0];
	s4 =	simm.s32 $0x1;
	s2 =	sshll.u32 s1, $0x7  }
0x6: {  	s7 =	simm.s32 $0x2;
	s12 =	simm.s32 $0x0;
	s1 =	ssub.s32 $0x4000, s2  }
0x7: {  	s8 =	simm.s32 $0x20000;
	s13 =	simm.s32 $0x0;
	s3 =	sand.u32 $0xF80, s1  }
0x8: {  	s9 =	simm.s32 $0x0;
	s5 =	sshrl.u32 s1, $0xC;
	p0 =	sne.s32 s3, $0x0  }
.Ltmp0:
0x9: {  	s1 =	rddreg [dreg:$0x2];
	s4 =	simm.s32 @!p0 $0x0;
	(pc) =	sbr.rel .LBB1_1-.Ltmp0, $4  }
0xa: {  	s11 =	simm.s32 $0x0;
	s3 =	rddreg [dreg:$0x1];
	s5 =	sadd.s32 s4, s5  }
0xb: {  	_ =	strace $0x8000004A;
	s4 =	simm.s32 $0x1;
	s5 =	smul.u32 $0x32, s5  }
0xc: {  	s6 =	sadd.s32 $0xA00, s6;
	s10 =	smov.u32 s2;
	[sflag:s4] =	ssyncpa.u1 $0x0  }
0xd: {  	p0 =	por $0x0, $0x0;
	[sflag:s7] =	ssyncpa.u1 $0x0;
	s7 =	sor.u32 $0x1, s5  }
.LBB1_4:
0xe: {  	s16 =	sshll.u32 s13, $0x3;
	s17 =	sand.u32 $0x78, s13  }
0xf: {  	s30 =	sand.u32 $0x1F800, s13;
	s12 =	sshll.u32 s12, $0x11;
	s16 =	sand.u32 $0x3C00, s16  }
0x10: {  	[tilespmem:s15+$0x810 ss:$0x81] =	vst.msk $0xffff, v2;
	s31 =	sand.u32 $0x7, s13;
	s16 =	sor.u32 s17, s16;
	s17 =	sadd.s32 s3, s30  }
0x11: {  	[tilespmem:s15+$0x1020 ss:$0x81] =	vst.msk $0xffff, v0;
	s13 =	sshll.u32 s31, $0x12;
	s12 =	sadd.s32 s12, s17;
	s16 =	sshrl.u32 s16, $0x3  }
0x12: {  	[tilespmem:s15+$0x0 ss:$0x81] =	vst.msk $0xffff, v1;
	s13 =	sor.u32 $0x400, s13;
	s12 =	sadd.s32 s16, s12  }
0x13: {  	[hbm4b:s12+s13] =	stream.strided.scatter [tilespmem:s14], [sflag:$0x2], $0x2000, s8, s13, $0x20;
	[tilespmem:$0x8080] =	vst v63  }
.LBB1_5:
0x14: {  	s14 =	sadd.s32 $0x1, s9  }
0x15: {  	s12 =	sadd.s32 $0x1000, s10;
	s16 =	smov.u32 s10;
	p2 =	sgt.s32 s14, $0x31  }
0x16: {  	s16 =	smov.u32 @p2 s12  }
0x17: {  	s14 =	simm.s32 @p2 $0x0;
	p2 =	sgt.s32 s16, $0x3FFF  }
0x18: {  	s16 =	smov.u32 @p2 s2;
	p2 =	sne.s32 s11, s7  }
.Ltmp1:
0x19: {  	p1 =	slt.u32 s11, $0x2;
	(pc) =	sbr.rel @!p2 .LBB1_6-.Ltmp1, $4  }
0x1a: {  	s15 =	simm.s32 @!p1 $0x2  }
0x1b: {  	s13 =	smov.u32 s10;
	p0 =	por !p0, !p0;
	_ =	swait.ge @!p1 [sflag:s15], $0x2000  }
0x1c: {  	s12 =	smov.u32 s9;
	[sflag:s15] =	ssyncset.done @!p1 $0x0;
	s9 =	smov.u32 s14  }
0x1d: {  	s11 =	sadd.s32 $0x1, s11;
	[sflag:s15] =	ssyncadd.s32 @!p1 $0xFFFFE000;
	s10 =	smov.u32 s16  }
.LBB1_1:
0x1e: {  	p1 =	sge.u32 s11, s5  }
0x1f: {  	s14 =	sand.u32 @!p1 $0x1FFFFFF, s9  }
0x20: {  	s15 =	smulhi.u32 @!p1 $0x4924925, s14;
	_ =	sdelay $0x1  }
0x21: {  	s15 =	smul.u32 @!p1 $0x38, s15  }
0x22: {  	s16 =	sxor.u32 @!p1 $0xFFFFFFFF, s11;
	s17 =	smul.u32 @!p1 $0x380, s10  }
0x23: {  	s31 =	sadd.s32 $0xFFFFFFFF, s11;
	s16 =	sshll.u32 @!p1 s16, $0xD;
	s14 =	ssub.s32 @!p1 s14, s15  }
0x24: {  	s15 =	sand.u32 @!p1 $0x2000, s16;
	s16 =	sadd.s32 @!p1 s6, s17;
	s14 =	sshll.u32 @!p1 s14, $0x4  }
0x25: {  	s17 =	simm.s32 @!p1 $0x1C00;
	s14 =	sadd.s32 @!p1 s14, s16;
	s16 =	simm.s32 @!p1 $0x40  }
0x26: {  	[tilespmem:s15], [sflag:$0x1] =	stream.strided.gather @!p1 [hbm4b:s14+s16], $0x2000, s17, s16, $0x38;
	[tilespmem:$0x8080] =	vst v63  }
0x27: {  	p1 =	sge.u32 s31, s5  }
.Ltmp2:
0x28: {  	_ = 	snop;
	(pc) =	sbr.rel @p1 .LBB1_5-.Ltmp2, $1  }
0x29: {  	_ =	sdelay $0x3  }
0x2a: {  	s14 =	simm.s32 $0x1  }
0x2b: {  	_ =	swait.ge [sflag:s4], $0x2000;
	s14 =	simm.s32 @!p0 $0x0  }
0x2c: {  	[sflag:s4] =	ssyncset.done $0x0;
	s15 =	sshll.u32 s14, $0xD  }
0x2d: {  	[sflag:s4] =	ssyncadd.s32 $0xFFFFE000;
	s18 =	sor.u32 $0x20, s15  }
0x2e: {  	s14 =	smul.u32 $0x8100, s14;
	v3 =	vld [tilespmem:s18+$0x10]  }
0x2f: {  	s30 =	sand.u32 $0x1, s11;
	v2 =	vld [tilespmem:s18+$0xFFFFFFF0]  }
0x30: {  	s15 =	smul.u32 $0x8100, s30;
	s14 =	sshrl.u32 s14, $0x2;
	v0 =	vld [tilespmem:s18+$0x0]  }
0x31: {  	v1 =	vld [tilespmem:s18+$0xFFFFFFE0];
	s16 =	sor.u32 $0x4000, s14  }
0x32: {  	s31 =	sshrl.u32 s15, $0x2;
	s15 =	sadd.s32 $0x0, s16  }
0x33: {  	s17 =	simm.s32 $0x4;
	s18 =	sadd.s32 $0x40, s18;
	s14 =	sor.u32 $0x4000, s31;
	[tilespmem:s15+$0x1830 ss:$0x81] =	vst.msk $0xffff, v3  }
.LBB1_3:
0x34: {  	v3 =	vld [tilespmem:s18+$0x10];
	p1 =	sne.s32 s17, $0x1FC;
	[tilespmem:s15+$0x810 ss:$0x81] =	vst.msk $0xffff, v2;
	s19 =	smov.u32 s17;
	s17 =	sadd.s32 $0x4, s17  }
.Ltmp3:
0x35: {  	v2 =	vld [tilespmem:s18+$0xFFFFFFF0];
	[tilespmem:s15+$0x1020 ss:$0x81] =	vst.msk $0xffff, v0;
	(pc) =	sbr.rel @p1 .LBB1_3-.Ltmp3, $4  }
0x36: {  	v0 =	vld [tilespmem:s18+$0x0];
	[tilespmem:s15+$0x0 ss:$0x81] =	vst.msk $0xffff, v1  }
0x37: {  	s15 =	sshra.s32 s19, $0x2;
	v1 =	vld [tilespmem:s18+$0xFFFFFFE0]  }
0x38: {  	s15 =	sadd.s32 s15, s16  }
0x39: {  	s18 =	sadd.s32 $0x40, s18;
	[tilespmem:s15+$0x1830 ss:$0x81] =	vst.msk $0xffff, v3  }
.Ltmp4:
0x3a: {  	_ = 	snop;
	(pc) =	sbr.rel .LBB1_4-.Ltmp4, $1  }
0x3b: {  	_ =	sdelay $0x3  }
.LBB1_6:
0x3c: {  	_ =	sfence.sel $0x180000  }
0x3d: {  	s2 =	simm.s32 $0x1;
	[bflag:$0x0] =	sbarrier.arrive $0xFFFF  }
0x3e: {  	s31 =	simm.s32 $0x2;
	[sflag:s2] =	ssyncpa.u1 $0x1  }
0x3f: {  	[sflag:s31] =	ssyncpa.u1 $0x1  }
0x40: {  	p0 =	sne.s32 s0, $0x0;
	_ =	strace $0x9000004A  }
0x41: {  	s0 =	sadd.s32 @!p0 $0x100000, s1;
	[bflag:$0x2] =	sbarrier.arrive $0xFFFF  }
0x42: {  	[sflag:s0] =	ssyncadd.tile.s32 @!p0 $0x1;
	_ =	shalt  }
.Lfunc_end1:
_tile_overlayer_lowered:
.L_overlay_start_2:
0x43: {  	(tag) =	ssettag $0x2  }
0x44: {  	s0 =	rddreg [dreg:$0x0];
	s2 =	stileid.u32  }
0x45: {  	s1 =	rddreg [dreg:$0x1];
	p0 =	sne.s32 s2, $0x0  }
0x46: {  	s3 =	rddreg [dreg:$0x2];
	[bflag:$0x3] =	sbarrier.arrive $0xFFFF;
	s2 =	simm.s32 @!p0 $0x1C01  }
0x47: {  	[timem:s3], [sflag:s2] =	dma.local @!p0 [hbm:s0], s1  }
0x48: {  	s0 =	simm.s32 @!p0 $0x1  }
0x49: {  	_ =	swait.ge @!p0 [sflag:s0], s1  }
0x4a: {  	s1 =	ssub.s32 @!p0 $0x0, s1;
	[sflag:s0] =	ssyncset.done @!p0 $0x0  }
0x4b: {  	[sflag:s0] =	ssyncadd.s32 @!p0 s1  }
0x4c: {  	[bflag:$0x3] =	sbarrier.arrive $0xFFFF  }
0x4d: {  	_ =	shalt  }

</sc_bundles>
